<compile_context>
chip_gen: v7x
topology: tpu7x:2x2x1
jax: 0.10.2.dev20260603
libtpu: 0.0.44.dev20260713+nightly
codegen_flags: <defaults>
</compile_context>

<pallas_src>
import jax
import jax.numpy as jnp
from jax import lax
from jax.experimental import pallas as pl
from jax.experimental.pallas import tpu as pltpu
from jax.experimental.pallas import tpu_sc as plsc

N = 320000
D = 128
K = 1000
KP = 1024

NUM_CORES = 2
NUM_SUBCORES = 16
NW = NUM_CORES * NUM_SUBCORES

BT = 1024
M_TC = 80 * BT
SC_ROWS = N - M_TC
ROWS_PER_TILE = SC_ROWS // NW
CNT_ROWS_PER_TILE = N // NW
SCATTER_B = 120
CHUNK = 2 * SCATTER_B
CHUNKS_PER_TILE = ROWS_PER_TILE // CHUNK


def _sc_body(feat_hbm, tgt1_hbm, zsum_hbm, zc_hbm,
             sums_out, cnt_out,
             fbuf0, fbuf1, tb00, tb01, tb10, tb11, tv, cnt_local, acc_sh,
             sem_in0, sem_in1, sem_s0, sem_s1):
    c = lax.axis_index("c")
    s = lax.axis_index("s")
    wid = c * NUM_SUBCORES + s

    fbufs = (fbuf0, fbuf1)
    tbs = ((tb00, tb01), (tb10, tb11))
    sem_in = (sem_in0, sem_in1)
    sem_s = (sem_s0, sem_s1)

    zrows = KP // NUM_SUBCORES
    pltpu.sync_copy(zsum_hbm.at[pl.ds(s * zrows, zrows)],
                    acc_sh.at[pl.ds(s * zrows, zrows)])
    pltpu.sync_copy(zc_hbm, cnt_local)
    pltpu.sync_copy(
        tgt1_hbm.at[pl.ds(wid * CNT_ROWS_PER_TILE, CNT_ROWS_PER_TILE)], tv)
    plsc.subcore_barrier()

    base_f = M_TC + wid * ROWS_PER_TILE

    def start_in(i, b):
        pltpu.async_copy(feat_hbm.at[pl.ds(base_f + i * CHUNK, CHUNK)],
                         fbufs[b], sem_in[b])
        pltpu.async_copy(tgt1_hbm.at[pl.ds(base_f + i * CHUNK, SCATTER_B)],
                         tbs[b][0], sem_in[b])
        pltpu.async_copy(
            tgt1_hbm.at[pl.ds(base_f + i * CHUNK + SCATTER_B, SCATTER_B)],
            tbs[b][1], sem_in[b])

    def wait_in(i, b):
        pltpu.make_async_copy(feat_hbm.at[pl.ds(base_f + i * CHUNK, CHUNK)],
                              fbufs[b], sem_in[b]).wait()
        pltpu.make_async_copy(tgt1_hbm.at[pl.ds(base_f + i * CHUNK, SCATTER_B)],
                              tbs[b][0], sem_in[b]).wait()
        pltpu.make_async_copy(
            tgt1_hbm.at[pl.ds(base_f + i * CHUNK + SCATTER_B, SCATTER_B)],
            tbs[b][1], sem_in[b]).wait()

    def start_scatter(b):
        for h in range(2):
            pltpu.async_copy(fbufs[b].at[pl.ds(h * SCATTER_B, SCATTER_B)],
                             acc_sh.at[tbs[b][h]], sem_s[b], add=True)

    def wait_scatter(b):
        for h in range(2):
            pltpu.make_async_copy(fbufs[b].at[pl.ds(h * SCATTER_B, SCATTER_B)],
                                  acc_sh.at[tbs[b][h]], sem_s[b]).wait()

    start_in(0, 0)

    def pair(j, carry):
        i0 = 2 * j
        wait_in(i0, 0)
        start_scatter(0)

        @pl.when(j > 0)
        def _():
            wait_scatter(1)
        start_in(i0 + 1, 1)
        wait_in(i0 + 1, 1)
        start_scatter(1)

        @pl.when(2 * j + 2 < CHUNKS_PER_TILE)
        def _():
            wait_scatter(0)
            start_in(i0 + 2, 0)
        return carry

    lax.fori_loop(0, CHUNKS_PER_TILE // 2, pair, 0)
    if CHUNKS_PER_TILE % 2:
        wait_in(CHUNKS_PER_TILE - 1, 0)
        start_scatter(0)

    iota16 = lax.iota(jnp.int32, 16)
    ones16 = jnp.ones((16,), jnp.float32)

    def cbody(i, carry):
        t16 = tv[pl.ds(i * 16, 16)]
        idx = ((t16 >> 7) << 11) + (iota16 << 7) + (t16 & 127)
        plsc.addupdate_scatter(cnt_local, [idx], ones16)
        return carry

    lax.fori_loop(0, CNT_ROWS_PER_TILE // 16, cbody, 0)
    pltpu.sync_copy(cnt_local, cnt_out.at[wid])

    wait_scatter(0)
    wait_scatter(1)
    plsc.subcore_barrier()

    @pl.when(s == 0)
    def _():
        pltpu.sync_copy(acc_sh, sums_out.at[c])


_sc_segment_sums = pl.kernel(
    _sc_body,
    out_type=(
        jax.ShapeDtypeStruct((NUM_CORES, KP, D), jnp.float32),
        jax.ShapeDtypeStruct((NW, 128 * 128), jnp.float32),
    ),
    mesh=plsc.VectorSubcoreMesh(core_axis_name="c", subcore_axis_name="s"),
    compiler_params=pltpu.CompilerParams(use_tc_tiling_on_sc=False,
                                         needs_layout_passes=False),
    scratch_types=[
        pltpu.VMEM((CHUNK, D), jnp.float32),
        pltpu.VMEM((CHUNK, D), jnp.float32),
        pltpu.VMEM((SCATTER_B,), jnp.int32),
        pltpu.VMEM((SCATTER_B,), jnp.int32),
        pltpu.VMEM((SCATTER_B,), jnp.int32),
        pltpu.VMEM((SCATTER_B,), jnp.int32),
        pltpu.VMEM((CNT_ROWS_PER_TILE,), jnp.int32),
        pltpu.VMEM((128 * 128,), jnp.float32),
        pltpu.VMEM_SHARED((KP, D), jnp.float32),
        pltpu.SemaphoreType.DMA,
        pltpu.SemaphoreType.DMA,
        pltpu.SemaphoreType.DMA,
        pltpu.SemaphoreType.DMA,
    ],
)


def _tc_partial_body(t_ref, f_ref, p_ref):
    i = pl.program_id(0)

    @pl.when(i == 0)
    def _():
        p_ref[...] = jnp.zeros_like(p_ref)

    fb = f_ref[...].astype(jnp.bfloat16)
    kio = lax.broadcasted_iota(jnp.int32, (KP, 512), 0)
    acc = None
    for h in range(2):
        t = t_ref[h]
        oh_t = (kio == t).astype(jnp.bfloat16)
        part = lax.dot_general(
            oh_t, fb[h * 512:(h + 1) * 512, :],
            (((1,), (0,)), ((), ())),
            preferred_element_type=jnp.float32)
        acc = part if acc is None else acc + part
    p_ref[...] += acc


_tc_partial = pl.pallas_call(
    _tc_partial_body,
    grid=(M_TC // BT,),
    in_specs=[
        pl.BlockSpec((2, 1, 512), lambda i: (i, 0, 0)),
        pl.BlockSpec((BT, D), lambda i: (i, 0)),
    ],
    out_specs=pl.BlockSpec((KP, D), lambda i: (0, 0)),
    out_shape=jax.ShapeDtypeStruct((KP, D), jnp.float32),
)


def _tc_body(sums_ref, cnt_ref, p_ref, fma_ref, mu_ref):
    s = sums_ref[0] + sums_ref[1] + p_ref[...]
    cnt_a = jnp.sum(cnt_ref[...], axis=0)
    b = jnp.sum(cnt_a.reshape(8, 16, 128), axis=1)
    kk = lax.broadcasted_iota(jnp.int32, (KP, 1), 0)
    sel = (lax.broadcasted_iota(jnp.int32, (KP, 8), 1) == (kk >> 7))
    c1 = jnp.dot(sel.astype(jnp.float32), b,
                 preferred_element_type=jnp.float32)
    m_iota = lax.broadcasted_iota(jnp.int32, (KP, 128), 1)
    pick = (m_iota == (kk & 127)).astype(jnp.float32)
    cnt = jnp.sum(c1 * pick, axis=1, keepdims=True)

    mu = jnp.sum(s, axis=0, keepdims=True) / float(N)
    has = cnt > 0.0
    fm = jnp.where(has, s / jnp.where(has, cnt, 1.0) - mu, mu)
    fm_t = fm.T[:, :K]
    norm = jnp.sqrt(jnp.sum(fm_t * fm_t))
    fma_ref[...] = fm_t / norm
    mu_ref[...] = mu


_tc_epilogue = pl.pallas_call(
    _tc_body,
    out_shape=(
        jax.ShapeDtypeStruct((D, K), jnp.float32),
        jax.ShapeDtypeStruct((1, D), jnp.float32),
    ),
)


@jax.jit
def kernel(features, targets):
    zsum = jnp.zeros((KP, D), jnp.float32)
    zc = jnp.zeros((128 * 128,), jnp.float32)
    sums, cnt = _sc_segment_sums(features, targets, zsum, zc)
    t3 = targets.reshape(N // 512, 1, 512)
    p = _tc_partial(t3, features)
    fma, mu = _tc_epilogue(sums, cnt.reshape(NW, 128, 128), p)
    return fma, mu.reshape(D)

# --- scband reference (transcript-rebuilt; emitter-appended) ---
"""Pipeline reference for scband-features-moving-average-layer-30597347016999 (READ-ONLY COPY).

The authoritative reference and input builder live on the scoring server;
editing this copy changes nothing except your own understanding.
"""

import jax, jax.numpy as jnp
import numpy as np

N = 320000
D = 128
K = 1000


def setup_inputs(seed: int = 0) -> dict:
    key = jax.random.key(seed)
    k1, k2 = jax.random.split(key)
    features = jax.random.normal(k1, (N, D), dtype=jnp.float32)
    targets = jax.random.randint(k2, (N,), 0, K, dtype=jnp.int32)
    return {"features": features, "targets": targets}


def reference(features, targets):
    # mu_G = global feature mean
    mu_G = jnp.mean(features, axis=0)
    # per-class counts and sums (== einsum('ij,ik->jk', one_hot, features))
    ones = jnp.ones((features.shape[0],), dtype=features.dtype)
    counts = jax.ops.segment_sum(ones, targets, num_segments=K)
    sums = jax.ops.segment_sum(features, targets, num_segments=K)
    has_class = counts > 0
    counts_safe = jnp.where(has_class, counts, jnp.ones_like(counts))
    feature_mean = sums / counts_safe[:, None] - mu_G[None, :]
    # classes with no samples: torch path fills with mu_G (FMA_prev is all-zero on first call)
    feature_mean = jnp.where(has_class[:, None], feature_mean, mu_G[None, :])
    val = feature_mean.T  # [d, K]
    # EMA update with initial state: count=0, n=1 -> alpha = 2/(0+1+1) = 1.0, FMA_prev = 0
    count = 0
    n = 1
    alpha = 2.0 / (count + n + 1)
    FMA_prev = jnp.zeros((D, K), dtype=features.dtype)
    FMA_curr = alpha * val + (1.0 - alpha) * FMA_prev
    # normalize by Frobenius norm (torch.linalg.matrix_norm default)
    FMA_curr = FMA_curr / jnp.linalg.norm(FMA_curr)
    return (FMA_curr, mu_G)

if __name__ == "__main__":
    import jax
    _d = setup_inputs()
    print(jax.jit(kernel)(*tuple(_d.values())))

</pallas_src>

<mosaic_0001>
#map = affine_map<(d0, d1) -> (0, 0)>
#map1 = affine_map<(d0, d1) -> (0)>
#map2 = affine_map<(d0, d1) -> (0, 0, 0)>
module attributes {stable_mosaic.version = 14 : i64} {
  func.func @_sc_body(%arg0: i32, %arg1: i32, %arg2: memref<320000x128xf32, #tpu.memory_space<hbm>>, %arg3: memref<320000xi32, #tpu.memory_space<hbm>>, %arg4: memref<1024x128xf32, #tpu.memory_space<hbm>>, %arg5: memref<16384xf32, #tpu.memory_space<hbm>>, %arg6: memref<2x1024x128xf32, #tpu.memory_space<hbm>>, %arg7: memref<32x16384xf32, #tpu.memory_space<hbm>>, %arg8: memref<240x128xf32, #tpu.memory_space<vmem>>, %arg9: memref<240x128xf32, #tpu.memory_space<vmem>>, %arg10: memref<120xi32, #tpu.memory_space<vmem>>, %arg11: memref<120xi32, #tpu.memory_space<vmem>>, %arg12: memref<120xi32, #tpu.memory_space<vmem>>, %arg13: memref<120xi32, #tpu.memory_space<vmem>>, %arg14: memref<10000xi32, #tpu.memory_space<vmem>>, %arg15: memref<16384xf32, #tpu.memory_space<vmem>>, %arg16: memref<1024x128xf32, #tpu.memory_space<vmem_shared>>, %arg17: memref<!tpu.dma_semaphore, #tpu.memory_space<semaphore_mem>>, %arg18: memref<!tpu.dma_semaphore, #tpu.memory_space<semaphore_mem>>, %arg19: memref<!tpu.dma_semaphore, #tpu.memory_space<semaphore_mem>>, %arg20: memref<!tpu.dma_semaphore, #tpu.memory_space<semaphore_mem>>) attributes {dimension_semantics = [#tpu.dimension_semantics<core_parallel>, #tpu.dimension_semantics<subcore_parallel>], iteration_bounds = array<i64: 2, 16>, scalar_prefetch = 0 : i64, scratch_operands = 13 : i64, tpu.core_type = #tpu.core_type<sc_vector_subcore>, window_params = [{transform_indices = #map}, {transform_indices = #map1}, {transform_indices = #map}, {transform_indices = #map1}, {transform_indices = #map2}, {transform_indices = #map}]} {
    %mul3A = arith.constant 16 : i32
    %mul3A_0 = arith.muli %arg0, %mul3A : i32
    %add3A = arith.addi %mul3A_0, %arg1 : i32
    %mul3A_1 = arith.constant 64 : i32
    %mul3A_2 = arith.muli %arg1, %mul3A_1 : i32
    %mul3A_3 = arith.constant 64 : i32
    %mul3A_4 = arith.muli %arg1, %mul3A_3 : i32
    "tpu.region"() ({
      %run_scoped3A = tpu.sem_alloc : memref<!tpu.dma_semaphore, #tpu.memory_space<semaphore_mem>>
      %dma_start3A_92 = arith.constant 0 : i32
      %dma_start3A_93 = tpu.memref_slice %arg16[%mul3A_4, %dma_start3A_92] : memref<1024x128xf32, #tpu.memory_space<vmem_shared>> -> memref<64x128xf32, #tpu.memory_space<vmem_shared>>
      %dma_start3A_94 = arith.constant 0 : i32
      %dma_start3A_95 = tpu.memref_slice %arg4[%mul3A_2, %dma_start3A_94] : memref<1024x128xf32, #tpu.memory_space<hbm>> -> memref<64x128xf32, #tpu.memory_space<hbm>>
      tpu.enqueue_dma source(%dma_start3A_95 : memref<64x128xf32, #tpu.memory_space<hbm>>) target(%dma_start3A_93 : memref<64x128xf32, #tpu.memory_space<vmem_shared>>) target_semaphore(%run_scoped3A : memref<!tpu.dma_semaphore, #tpu.memory_space<semaphore_mem>>)
      %dma_wait3A_96 = arith.constant 0 : i32
      %dma_wait3A_97 = tpu.memref_slice %arg16[%mul3A_4, %dma_wait3A_96] : memref<1024x128xf32, #tpu.memory_space<vmem_shared>> -> memref<64x128xf32, #tpu.memory_space<vmem_shared>>
      %dma_wait3A_98 = arith.constant 0 : i32
      %dma_wait3A_99 = tpu.memref_slice %arg4[%mul3A_2, %dma_wait3A_98] : memref<1024x128xf32, #tpu.memory_space<hbm>> -> memref<64x128xf32, #tpu.memory_space<hbm>>
      tpu.wait_dma2 semaphore(%run_scoped3A : memref<!tpu.dma_semaphore, #tpu.memory_space<semaphore_mem>>) src(%dma_wait3A_99 : memref<64x128xf32, #tpu.memory_space<hbm>>) dst(%dma_wait3A_97 : memref<64x128xf32, #tpu.memory_space<vmem_shared>>)
      tpu.yield
    }) : () -> ()
    "tpu.region"() ({
      %run_scoped3A = tpu.sem_alloc : memref<!tpu.dma_semaphore, #tpu.memory_space<semaphore_mem>>
      tpu.enqueue_dma source(%arg5 : memref<16384xf32, #tpu.memory_space<hbm>>) target(%arg15 : memref<16384xf32, #tpu.memory_space<vmem>>) target_semaphore(%run_scoped3A : memref<!tpu.dma_semaphore, #tpu.memory_space<semaphore_mem>>)
      tpu.wait_dma2 semaphore(%run_scoped3A : memref<!tpu.dma_semaphore, #tpu.memory_space<semaphore_mem>>) src(%arg5 : memref<16384xf32, #tpu.memory_space<hbm>>) dst(%arg15 : memref<16384xf32, #tpu.memory_space<vmem>>)
      tpu.yield
    }) : () -> ()
    %mul3A_5 = arith.constant 10000 : i32
    %mul3A_6 = arith.muli %add3A, %mul3A_5 : i32
    "tpu.region"() ({
      %run_scoped3A = tpu.sem_alloc : memref<!tpu.dma_semaphore, #tpu.memory_space<semaphore_mem>>
      %dma_start3A_92 = tpu.memref_slice %arg3[%mul3A_6] : memref<320000xi32, #tpu.memory_space<hbm>> -> memref<10000xi32, #tpu.memory_space<hbm>>
      %dma_start3A_93 = tpu.memref_slice %arg3[%mul3A_6] : memref<320000xi32, #tpu.memory_space<hbm>> -> memref<10000xi32, #tpu.memory_space<hbm>>
      tpu.enqueue_dma source(%dma_start3A_93 : memref<10000xi32, #tpu.memory_space<hbm>>) target(%arg14 : memref<10000xi32, #tpu.memory_space<vmem>>) target_semaphore(%run_scoped3A : memref<!tpu.dma_semaphore, #tpu.memory_space<semaphore_mem>>)
      %dma_wait3A_94 = tpu.memref_slice %arg3[%mul3A_6] : memref<320000xi32, #tpu.memory_space<hbm>> -> memref<10000xi32, #tpu.memory_space<hbm>>
      %dma_wait3A_95 = tpu.memref_slice %arg3[%mul3A_6] : memref<320000xi32, #tpu.memory_space<hbm>> -> memref<10000xi32, #tpu.memory_space<hbm>>
      tpu.wait_dma2 semaphore(%run_scoped3A : memref<!tpu.dma_semaphore, #tpu.memory_space<semaphore_mem>>) src(%dma_wait3A_95 : memref<10000xi32, #tpu.memory_space<hbm>>) dst(%arg14 : memref<10000xi32, #tpu.memory_space<vmem>>)
      tpu.yield
    }) : () -> ()
    %barrier3A = arith.constant 0 : index
    tpu.barrier barrier_id(%barrier3A)
    %mul3A_7 = arith.constant 7440 : i32
    %mul3A_8 = arith.muli %add3A, %mul3A_7 : i32
    %add3A_9 = arith.constant 81920 : i32
    %add3A_10 = arith.addi %add3A_9, %mul3A_8 : i32
    %add3A_11 = arith.constant 0 : i32
    %add3A_12 = arith.addi %add3A_10, %add3A_11 : i32
    %dma_start3A = arith.constant 0 : i32
    %dma_start3A_13 = tpu.memref_slice %arg2[%add3A_12, %dma_start3A] : memref<320000x128xf32, #tpu.memory_space<hbm>> -> memref<240x128xf32, #tpu.memory_space<hbm>>
    %dma_start3A_14 = arith.constant 0 : i32
    %dma_start3A_15 = tpu.memref_slice %arg2[%add3A_12, %dma_start3A_14] : memref<320000x128xf32, #tpu.memory_space<hbm>> -> memref<240x128xf32, #tpu.memory_space<hbm>>
    tpu.enqueue_dma source(%dma_start3A_15 : memref<240x128xf32, #tpu.memory_space<hbm>>) target(%arg8 : memref<240x128xf32, #tpu.memory_space<vmem>>) target_semaphore(%arg17 : memref<!tpu.dma_semaphore, #tpu.memory_space<semaphore_mem>>)
    %add3A_16 = arith.constant 0 : i32
    %add3A_17 = arith.addi %add3A_10, %add3A_16 : i32
    %dma_start3A_18 = tpu.memref_slice %arg3[%add3A_17] : memref<320000xi32, #tpu.memory_space<hbm>> -> memref<120xi32, #tpu.memory_space<hbm>>
    %dma_start3A_19 = tpu.memref_slice %arg3[%add3A_17] : memref<320000xi32, #tpu.memory_space<hbm>> -> memref<120xi32, #tpu.memory_space<hbm>>
    tpu.enqueue_dma source(%dma_start3A_19 : memref<120xi32, #tpu.memory_space<hbm>>) target(%arg10 : memref<120xi32, #tpu.memory_space<vmem>>) target_semaphore(%arg17 : memref<!tpu.dma_semaphore, #tpu.memory_space<semaphore_mem>>)
    %add3A_20 = arith.constant 0 : i32
    %add3A_21 = arith.addi %add3A_10, %add3A_20 : i32
    %add3A_22 = arith.constant 120 : i32
    %add3A_23 = arith.addi %add3A_21, %add3A_22 : i32
    %dma_start3A_24 = tpu.memref_slice %arg3[%add3A_23] : memref<320000xi32, #tpu.memory_space<hbm>> -> memref<120xi32, #tpu.memory_space<hbm>>
    %dma_start3A_25 = tpu.memref_slice %arg3[%add3A_23] : memref<320000xi32, #tpu.memory_space<hbm>> -> memref<120xi32, #tpu.memory_space<hbm>>
    tpu.enqueue_dma source(%dma_start3A_25 : memref<120xi32, #tpu.memory_space<hbm>>) target(%arg11 : memref<120xi32, #tpu.memory_space<vmem>>) target_semaphore(%arg17 : memref<!tpu.dma_semaphore, #tpu.memory_space<semaphore_mem>>)
    %scan3A = arith.constant 0 : i32
    %scan3A_26 = arith.constant 0 : i32
    %scan3A_27 = arith.constant 15 : i32
    %scan3A_28 = arith.addi %scan3A_26, %scan3A_27 : i32
    %scan3A_29 = arith.constant 1 : i32
    scf.for %scan3A_92 = %scan3A_26 to %scan3A_28 step %scan3A_29  : i32 {
      %mul3A_93 = arith.constant 2 : i32
      %mul3A_94 = arith.muli %mul3A_93, %scan3A_92 : i32
      %mul3A_95 = arith.constant 240 : i32
      %mul3A_96 = arith.muli %mul3A_94, %mul3A_95 : i32
      %add3A_97 = arith.addi %add3A_10, %mul3A_96 : i32
      %dma_wait3A_98 = arith.constant 0 : i32
      %dma_wait3A_99 = tpu.memref_slice %arg2[%add3A_97, %dma_wait3A_98] : memref<320000x128xf32, #tpu.memory_space<hbm>> -> memref<240x128xf32, #tpu.memory_space<hbm>>
      %dma_wait3A_100 = arith.constant 0 : i32
      %dma_wait3A_101 = tpu.memref_slice %arg2[%add3A_97, %dma_wait3A_100] : memref<320000x128xf32, #tpu.memory_space<hbm>> -> memref<240x128xf32, #tpu.memory_space<hbm>>
      tpu.wait_dma2 semaphore(%arg17 : memref<!tpu.dma_semaphore, #tpu.memory_space<semaphore_mem>>) src(%dma_wait3A_101 : memref<240x128xf32, #tpu.memory_space<hbm>>) dst(%arg8 : memref<240x128xf32, #tpu.memory_space<vmem>>)
      %mul3A_102 = arith.constant 240 : i32
      %mul3A_103 = arith.muli %mul3A_94, %mul3A_102 : i32
      %add3A_104 = arith.addi %add3A_10, %mul3A_103 : i32
      %dma_wait3A_105 = tpu.memref_slice %arg3[%add3A_104] : memref<320000xi32, #tpu.memory_space<hbm>> -> memref<120xi32, #tpu.memory_space<hbm>>
      %dma_wait3A_106 = tpu.memref_slice %arg3[%add3A_104] : memref<320000xi32, #tpu.memory_space<hbm>> -> memref<120xi32, #tpu.memory_space<hbm>>
      tpu.wait_dma2 semaphore(%arg17 : memref<!tpu.dma_semaphore, #tpu.memory_space<semaphore_mem>>) src(%dma_wait3A_106 : memref<120xi32, #tpu.memory_space<hbm>>) dst(%arg10 : memref<120xi32, #tpu.memory_space<vmem>>)
      %mul3A_107 = arith.constant 240 : i32
      %mul3A_108 = arith.muli %mul3A_94, %mul3A_107 : i32
      %add3A_109 = arith.addi %add3A_10, %mul3A_108 : i32
      %add3A_110 = arith.constant 120 : i32
      %add3A_111 = arith.addi %add3A_109, %add3A_110 : i32
      %dma_wait3A_112 = tpu.memref_slice %arg3[%add3A_111] : memref<320000xi32, #tpu.memory_space<hbm>> -> memref<120xi32, #tpu.memory_space<hbm>>
      %dma_wait3A_113 = tpu.memref_slice %arg3[%add3A_111] : memref<320000xi32, #tpu.memory_space<hbm>> -> memref<120xi32, #tpu.memory_space<hbm>>
      tpu.wait_dma2 semaphore(%arg17 : memref<!tpu.dma_semaphore, #tpu.memory_space<semaphore_mem>>) src(%dma_wait3A_113 : memref<120xi32, #tpu.memory_space<hbm>>) dst(%arg11 : memref<120xi32, #tpu.memory_space<vmem>>)
      %dma_start3A_114 = arith.constant 0 : i32
      %dma_start3A_115 = arith.constant 0 : i32
      %dma_start3A_116 = tpu.memref_slice %arg8[%dma_start3A_114, %dma_start3A_115] : memref<240x128xf32, #tpu.memory_space<vmem>> -> memref<120x128xf32, #tpu.memory_space<vmem>>
      %dma_start3A_117 = arith.constant 0 : i32
      %dma_start3A_118 = arith.constant 0 : i32
      %dma_start3A_119 = tpu.memref_slice %arg16[%dma_start3A_117, %dma_start3A_118] : memref<1024x128xf32, #tpu.memory_space<vmem_shared>> -> memref<1024x128xf32, #tpu.memory_space<vmem_shared>>
      tpu.enqueue_indirect_dma source(%dma_start3A_116 : memref<120x128xf32, #tpu.memory_space<vmem>>) target(%dma_start3A_119 : memref<1024x128xf32, #tpu.memory_space<vmem_shared>>) offsets(%arg10 : memref<120xi32, #tpu.memory_space<vmem>>) semaphore(%arg19 : memref<!tpu.dma_semaphore, #tpu.memory_space<semaphore_mem>>) {add = true}
      %dma_start3A_120 = arith.constant 120 : i32
      %dma_start3A_121 = arith.constant 0 : i32
      %dma_start3A_122 = tpu.memref_slice %arg8[%dma_start3A_120, %dma_start3A_121] : memref<240x128xf32, #tpu.memory_space<vmem>> -> memref<120x128xf32, #tpu.memory_space<vmem>>
      %dma_start3A_123 = arith.constant 0 : i32
      %dma_start3A_124 = arith.constant 0 : i32
      %dma_start3A_125 = tpu.memref_slice %arg16[%dma_start3A_123, %dma_start3A_124] : memref<1024x128xf32, #tpu.memory_space<vmem_shared>> -> memref<1024x128xf32, #tpu.memory_space<vmem_shared>>
      tpu.enqueue_indirect_dma source(%dma_start3A_122 : memref<120x128xf32, #tpu.memory_space<vmem>>) target(%dma_start3A_125 : memref<1024x128xf32, #tpu.memory_space<vmem_shared>>) offsets(%arg11 : memref<120xi32, #tpu.memory_space<vmem>>) semaphore(%arg19 : memref<!tpu.dma_semaphore, #tpu.memory_space<semaphore_mem>>) {add = true}
      %gt3A = arith.constant 0 : i32
      %gt3A_126 = arith.cmpi sgt, %scan3A_92, %gt3A : i32
      %convert_element_type3A_127 = arith.extui %gt3A_126 : i1 to i32
      %cond3A_128 = arith.constant 0 : i32
      %cond3A_129 = arith.cmpi ne, %convert_element_type3A_127, %cond3A_128 : i32
      scf.if %cond3A_129 {
        %dma_wait3A_192 = arith.constant 0 : i32
        %dma_wait3A_193 = arith.constant 0 : i32
        %dma_wait3A_194 = tpu.memref_slice %arg9[%dma_wait3A_192, %dma_wait3A_193] : memref<240x128xf32, #tpu.memory_space<vmem>> -> memref<120x128xf32, #tpu.memory_space<vmem>>
        %dma_wait3A_195 = arith.constant 0 : i32
        %dma_wait3A_196 = arith.constant 0 : i32
        %dma_wait3A_197 = tpu.memref_slice %arg16[%dma_wait3A_195, %dma_wait3A_196] : memref<1024x128xf32, #tpu.memory_space<vmem_shared>> -> memref<1024x128xf32, #tpu.memory_space<vmem_shared>>
        tpu.wait_indirect_dma semaphore(%arg20 : memref<!tpu.dma_semaphore, #tpu.memory_space<semaphore_mem>>) src(%dma_wait3A_194 : memref<120x128xf32, #tpu.memory_space<vmem>>) dst(%dma_wait3A_197 : memref<1024x128xf32, #tpu.memory_space<vmem_shared>>)
        %dma_wait3A_198 = arith.constant 120 : i32
        %dma_wait3A_199 = arith.constant 0 : i32
        %dma_wait3A_200 = tpu.memref_slice %arg9[%dma_wait3A_198, %dma_wait3A_199] : memref<240x128xf32, #tpu.memory_space<vmem>> -> memref<120x128xf32, #tpu.memory_space<vmem>>
        %dma_wait3A_201 = arith.constant 0 : i32
        %dma_wait3A_202 = arith.constant 0 : i32
        %dma_wait3A_203 = tpu.memref_slice %arg16[%dma_wait3A_201, %dma_wait3A_202] : memref<1024x128xf32, #tpu.memory_space<vmem_shared>> -> memref<1024x128xf32, #tpu.memory_space<vmem_shared>>
        tpu.wait_indirect_dma semaphore(%arg20 : memref<!tpu.dma_semaphore, #tpu.memory_space<semaphore_mem>>) src(%dma_wait3A_200 : memref<120x128xf32, #tpu.memory_space<vmem>>) dst(%dma_wait3A_203 : memref<1024x128xf32, #tpu.memory_space<vmem_shared>>)
      } else {
      }
      %add3A_130 = arith.constant 1 : i32
      %add3A_131 = arith.addi %mul3A_94, %add3A_130 : i32
      %mul3A_132 = arith.constant 240 : i32
      %mul3A_133 = arith.muli %add3A_131, %mul3A_132 : i32
      %add3A_134 = arith.addi %add3A_10, %mul3A_133 : i32
      %dma_start3A_135 = arith.constant 0 : i32
      %dma_start3A_136 = tpu.memref_slice %arg2[%add3A_134, %dma_start3A_135] : memref<320000x128xf32, #tpu.memory_space<hbm>> -> memref<240x128xf32, #tpu.memory_space<hbm>>
      %dma_start3A_137 = arith.constant 0 : i32
      %dma_start3A_138 = tpu.memref_slice %arg2[%add3A_134, %dma_start3A_137] : memref<320000x128xf32, #tpu.memory_space<hbm>> -> memref<240x128xf32, #tpu.memory_space<hbm>>
      tpu.enqueue_dma source(%dma_start3A_138 : memref<240x128xf32, #tpu.memory_space<hbm>>) target(%arg9 : memref<240x128xf32, #tpu.memory_space<vmem>>) target_semaphore(%arg18 : memref<!tpu.dma_semaphore, #tpu.memory_space<semaphore_mem>>)
      %mul3A_139 = arith.constant 240 : i32
      %mul3A_140 = arith.muli %add3A_131, %mul3A_139 : i32
      %add3A_141 = arith.addi %add3A_10, %mul3A_140 : i32
      %dma_start3A_142 = tpu.memref_slice %arg3[%add3A_141] : memref<320000xi32, #tpu.memory_space<hbm>> -> memref<120xi32, #tpu.memory_space<hbm>>
      %dma_start3A_143 = tpu.memref_slice %arg3[%add3A_141] : memref<320000xi32, #tpu.memory_space<hbm>> -> memref<120xi32, #tpu.memory_space<hbm>>
      tpu.enqueue_dma source(%dma_start3A_143 : memref<120xi32, #tpu.memory_space<hbm>>) target(%arg12 : memref<120xi32, #tpu.memory_space<vmem>>) target_semaphore(%arg18 : memref<!tpu.dma_semaphore, #tpu.memory_space<semaphore_mem>>)
      %mul3A_144 = arith.constant 240 : i32
      %mul3A_145 = arith.muli %add3A_131, %mul3A_144 : i32
      %add3A_146 = arith.addi %add3A_10, %mul3A_145 : i32
      %add3A_147 = arith.constant 120 : i32
      %add3A_148 = arith.addi %add3A_146, %add3A_147 : i32
      %dma_start3A_149 = tpu.memref_slice %arg3[%add3A_148] : memref<320000xi32, #tpu.memory_space<hbm>> -> memref<120xi32, #tpu.memory_space<hbm>>
      %dma_start3A_150 = tpu.memref_slice %arg3[%add3A_148] : memref<320000xi32, #tpu.memory_space<hbm>> -> memref<120xi32, #tpu.memory_space<hbm>>
      tpu.enqueue_dma source(%dma_start3A_150 : memref<120xi32, #tpu.memory_space<hbm>>) target(%arg13 : memref<120xi32, #tpu.memory_space<vmem>>) target_semaphore(%arg18 : memref<!tpu.dma_semaphore, #tpu.memory_space<semaphore_mem>>)
      %add3A_151 = arith.constant 1 : i32
      %add3A_152 = arith.addi %mul3A_94, %add3A_151 : i32
      %mul3A_153 = arith.constant 240 : i32
      %mul3A_154 = arith.muli %add3A_152, %mul3A_153 : i32
      %add3A_155 = arith.addi %add3A_10, %mul3A_154 : i32
      %dma_wait3A_156 = arith.constant 0 : i32
      %dma_wait3A_157 = tpu.memref_slice %arg2[%add3A_155, %dma_wait3A_156] : memref<320000x128xf32, #tpu.memory_space<hbm>> -> memref<240x128xf32, #tpu.memory_space<hbm>>
      %dma_wait3A_158 = arith.constant 0 : i32
      %dma_wait3A_159 = tpu.memref_slice %arg2[%add3A_155, %dma_wait3A_158] : memref<320000x128xf32, #tpu.memory_space<hbm>> -> memref<240x128xf32, #tpu.memory_space<hbm>>
      tpu.wait_dma2 semaphore(%arg18 : memref<!tpu.dma_semaphore, #tpu.memory_space<semaphore_mem>>) src(%dma_wait3A_159 : memref<240x128xf32, #tpu.memory_space<hbm>>) dst(%arg9 : memref<240x128xf32, #tpu.memory_space<vmem>>)
      %mul3A_160 = arith.constant 240 : i32
      %mul3A_161 = arith.muli %add3A_152, %mul3A_160 : i32
      %add3A_162 = arith.addi %add3A_10, %mul3A_161 : i32
      %dma_wait3A_163 = tpu.memref_slice %arg3[%add3A_162] : memref<320000xi32, #tpu.memory_space<hbm>> -> memref<120xi32, #tpu.memory_space<hbm>>
      %dma_wait3A_164 = tpu.memref_slice %arg3[%add3A_162] : memref<320000xi32, #tpu.memory_space<hbm>> -> memref<120xi32, #tpu.memory_space<hbm>>
      tpu.wait_dma2 semaphore(%arg18 : memref<!tpu.dma_semaphore, #tpu.memory_space<semaphore_mem>>) src(%dma_wait3A_164 : memref<120xi32, #tpu.memory_space<hbm>>) dst(%arg12 : memref<120xi32, #tpu.memory_space<vmem>>)
      %mul3A_165 = arith.constant 240 : i32
      %mul3A_166 = arith.muli %add3A_152, %mul3A_165 : i32
      %add3A_167 = arith.addi %add3A_10, %mul3A_166 : i32
      %add3A_168 = arith.constant 120 : i32
      %add3A_169 = arith.addi %add3A_167, %add3A_168 : i32
      %dma_wait3A_170 = tpu.memref_slice %arg3[%add3A_169] : memref<320000xi32, #tpu.memory_space<hbm>> -> memref<120xi32, #tpu.memory_space<hbm>>
      %dma_wait3A_171 = tpu.memref_slice %arg3[%add3A_169] : memref<320000xi32, #tpu.memory_space<hbm>> -> memref<120xi32, #tpu.memory_space<hbm>>
      tpu.wait_dma2 semaphore(%arg18 : memref<!tpu.dma_semaphore, #tpu.memory_space<semaphore_mem>>) src(%dma_wait3A_171 : memref<120xi32, #tpu.memory_space<hbm>>) dst(%arg13 : memref<120xi32, #tpu.memory_space<vmem>>)
      %dma_start3A_172 = arith.constant 0 : i32
      %dma_start3A_173 = arith.constant 0 : i32
      %dma_start3A_174 = tpu.memref_slice %arg9[%dma_start3A_172, %dma_start3A_173] : memref<240x128xf32, #tpu.memory_space<vmem>> -> memref<120x128xf32, #tpu.memory_space<vmem>>
      %dma_start3A_175 = arith.constant 0 : i32
      %dma_start3A_176 = arith.constant 0 : i32
      %dma_start3A_177 = tpu.memref_slice %arg16[%dma_start3A_175, %dma_start3A_176] : memref<1024x128xf32, #tpu.memory_space<vmem_shared>> -> memref<1024x128xf32, #tpu.memory_space<vmem_shared>>
      tpu.enqueue_indirect_dma source(%dma_start3A_174 : memref<120x128xf32, #tpu.memory_space<vmem>>) target(%dma_start3A_177 : memref<1024x128xf32, #tpu.memory_space<vmem_shared>>) offsets(%arg12 : memref<120xi32, #tpu.memory_space<vmem>>) semaphore(%arg20 : memref<!tpu.dma_semaphore, #tpu.memory_space<semaphore_mem>>) {add = true}
      %dma_start3A_178 = arith.constant 120 : i32
      %dma_start3A_179 = arith.constant 0 : i32
      %dma_start3A_180 = tpu.memref_slice %arg9[%dma_start3A_178, %dma_start3A_179] : memref<240x128xf32, #tpu.memory_space<vmem>> -> memref<120x128xf32, #tpu.memory_space<vmem>>
      %dma_start3A_181 = arith.constant 0 : i32
      %dma_start3A_182 = arith.constant 0 : i32
      %dma_start3A_183 = tpu.memref_slice %arg16[%dma_start3A_181, %dma_start3A_182] : memref<1024x128xf32, #tpu.memory_space<vmem_shared>> -> memref<1024x128xf32, #tpu.memory_space<vmem_shared>>
      tpu.enqueue_indirect_dma source(%dma_start3A_180 : memref<120x128xf32, #tpu.memory_space<vmem>>) target(%dma_start3A_183 : memref<1024x128xf32, #tpu.memory_space<vmem_shared>>) offsets(%arg13 : memref<120xi32, #tpu.memory_space<vmem>>) semaphore(%arg20 : memref<!tpu.dma_semaphore, #tpu.memory_space<semaphore_mem>>) {add = true}
      %mul3A_184 = arith.constant 2 : i32
      %mul3A_185 = arith.muli %mul3A_184, %scan3A_92 : i32
      %add3A_186 = arith.constant 2 : i32
      %add3A_187 = arith.addi %mul3A_185, %add3A_186 : i32
      %lt3A = arith.constant 31 : i32
      %lt3A_188 = arith.cmpi slt, %add3A_187, %lt3A : i32
      %convert_element_type3A_189 = arith.extui %lt3A_188 : i1 to i32
      %cond3A_190 = arith.constant 0 : i32
      %cond3A_191 = arith.cmpi ne, %convert_element_type3A_189, %cond3A_190 : i32
      scf.if %cond3A_191 {
        %dma_wait3A_192 = arith.constant 0 : i32
        %dma_wait3A_193 = arith.constant 0 : i32
        %dma_wait3A_194 = tpu.memref_slice %arg8[%dma_wait3A_192, %dma_wait3A_193] : memref<240x128xf32, #tpu.memory_space<vmem>> -> memref<120x128xf32, #tpu.memory_space<vmem>>
        %dma_wait3A_195 = arith.constant 0 : i32
        %dma_wait3A_196 = arith.constant 0 : i32
        %dma_wait3A_197 = tpu.memref_slice %arg16[%dma_wait3A_195, %dma_wait3A_196] : memref<1024x128xf32, #tpu.memory_space<vmem_shared>> -> memref<1024x128xf32, #tpu.memory_space<vmem_shared>>
        tpu.wait_indirect_dma semaphore(%arg19 : memref<!tpu.dma_semaphore, #tpu.memory_space<semaphore_mem>>) src(%dma_wait3A_194 : memref<120x128xf32, #tpu.memory_space<vmem>>) dst(%dma_wait3A_197 : memref<1024x128xf32, #tpu.memory_space<vmem_shared>>)
        %dma_wait3A_198 = arith.constant 120 : i32
        %dma_wait3A_199 = arith.constant 0 : i32
        %dma_wait3A_200 = tpu.memref_slice %arg8[%dma_wait3A_198, %dma_wait3A_199] : memref<240x128xf32, #tpu.memory_space<vmem>> -> memref<120x128xf32, #tpu.memory_space<vmem>>
        %dma_wait3A_201 = arith.constant 0 : i32
        %dma_wait3A_202 = arith.constant 0 : i32
        %dma_wait3A_203 = tpu.memref_slice %arg16[%dma_wait3A_201, %dma_wait3A_202] : memref<1024x128xf32, #tpu.memory_space<vmem_shared>> -> memref<1024x128xf32, #tpu.memory_space<vmem_shared>>
        tpu.wait_indirect_dma semaphore(%arg19 : memref<!tpu.dma_semaphore, #tpu.memory_space<semaphore_mem>>) src(%dma_wait3A_200 : memref<120x128xf32, #tpu.memory_space<vmem>>) dst(%dma_wait3A_203 : memref<1024x128xf32, #tpu.memory_space<vmem_shared>>)
        %add3A_204 = arith.constant 2 : i32
        %add3A_205 = arith.addi %mul3A_94, %add3A_204 : i32
        %mul3A_206 = arith.constant 240 : i32
        %mul3A_207 = arith.muli %add3A_205, %mul3A_206 : i32
        %add3A_208 = arith.addi %add3A_10, %mul3A_207 : i32
        %dma_start3A_209 = arith.constant 0 : i32
        %dma_start3A_210 = tpu.memref_slice %arg2[%add3A_208, %dma_start3A_209] : memref<320000x128xf32, #tpu.memory_space<hbm>> -> memref<240x128xf32, #tpu.memory_space<hbm>>
        %dma_start3A_211 = arith.constant 0 : i32
        %dma_start3A_212 = tpu.memref_slice %arg2[%add3A_208, %dma_start3A_211] : memref<320000x128xf32, #tpu.memory_space<hbm>> -> memref<240x128xf32, #tpu.memory_space<hbm>>
        tpu.enqueue_dma source(%dma_start3A_212 : memref<240x128xf32, #tpu.memory_space<hbm>>) target(%arg8 : memref<240x128xf32, #tpu.memory_space<vmem>>) target_semaphore(%arg17 : memref<!tpu.dma_semaphore, #tpu.memory_space<semaphore_mem>>)
        %mul3A_213 = arith.constant 240 : i32
        %mul3A_214 = arith.muli %add3A_205, %mul3A_213 : i32
        %add3A_215 = arith.addi %add3A_10, %mul3A_214 : i32
        %dma_start3A_216 = tpu.memref_slice %arg3[%add3A_215] : memref<320000xi32, #tpu.memory_space<hbm>> -> memref<120xi32, #tpu.memory_space<hbm>>
        %dma_start3A_217 = tpu.memref_slice %arg3[%add3A_215] : memref<320000xi32, #tpu.memory_space<hbm>> -> memref<120xi32, #tpu.memory_space<hbm>>
        tpu.enqueue_dma source(%dma_start3A_217 : memref<120xi32, #tpu.memory_space<hbm>>) target(%arg10 : memref<120xi32, #tpu.memory_space<vmem>>) target_semaphore(%arg17 : memref<!tpu.dma_semaphore, #tpu.memory_space<semaphore_mem>>)
        %mul3A_218 = arith.constant 240 : i32
        %mul3A_219 = arith.muli %add3A_205, %mul3A_218 : i32
        %add3A_220 = arith.addi %add3A_10, %mul3A_219 : i32
        %add3A_221 = arith.constant 120 : i32
        %add3A_222 = arith.addi %add3A_220, %add3A_221 : i32
        %dma_start3A_223 = tpu.memref_slice %arg3[%add3A_222] : memref<320000xi32, #tpu.memory_space<hbm>> -> memref<120xi32, #tpu.memory_space<hbm>>
        %dma_start3A_224 = tpu.memref_slice %arg3[%add3A_222] : memref<320000xi32, #tpu.memory_space<hbm>> -> memref<120xi32, #tpu.memory_space<hbm>>
        tpu.enqueue_dma source(%dma_start3A_224 : memref<120xi32, #tpu.memory_space<hbm>>) target(%arg11 : memref<120xi32, #tpu.memory_space<vmem>>) target_semaphore(%arg17 : memref<!tpu.dma_semaphore, #tpu.memory_space<semaphore_mem>>)
      } else {
      }
    }
    %scan3A_30 = arith.constant 15 : i32
    %add3A_31 = arith.constant 7200 : i32
    %add3A_32 = arith.addi %add3A_10, %add3A_31 : i32
    %dma_wait3A = arith.constant 0 : i32
    %dma_wait3A_33 = tpu.memref_slice %arg2[%add3A_32, %dma_wait3A] : memref<320000x128xf32, #tpu.memory_space<hbm>> -> memref<240x128xf32, #tpu.memory_space<hbm>>
    %dma_wait3A_34 = arith.constant 0 : i32
    %dma_wait3A_35 = tpu.memref_slice %arg2[%add3A_32, %dma_wait3A_34] : memref<320000x128xf32, #tpu.memory_space<hbm>> -> memref<240x128xf32, #tpu.memory_space<hbm>>
    tpu.wait_dma2 semaphore(%arg17 : memref<!tpu.dma_semaphore, #tpu.memory_space<semaphore_mem>>) src(%dma_wait3A_35 : memref<240x128xf32, #tpu.memory_space<hbm>>) dst(%arg8 : memref<240x128xf32, #tpu.memory_space<vmem>>)
    %add3A_36 = arith.constant 7200 : i32
    %add3A_37 = arith.addi %add3A_10, %add3A_36 : i32
    %dma_wait3A_38 = tpu.memref_slice %arg3[%add3A_37] : memref<320000xi32, #tpu.memory_space<hbm>> -> memref<120xi32, #tpu.memory_space<hbm>>
    %dma_wait3A_39 = tpu.memref_slice %arg3[%add3A_37] : memref<320000xi32, #tpu.memory_space<hbm>> -> memref<120xi32, #tpu.memory_space<hbm>>
    tpu.wait_dma2 semaphore(%arg17 : memref<!tpu.dma_semaphore, #tpu.memory_space<semaphore_mem>>) src(%dma_wait3A_39 : memref<120xi32, #tpu.memory_space<hbm>>) dst(%arg10 : memref<120xi32, #tpu.memory_space<vmem>>)
    %add3A_40 = arith.constant 7200 : i32
    %add3A_41 = arith.addi %add3A_10, %add3A_40 : i32
    %add3A_42 = arith.constant 120 : i32
    %add3A_43 = arith.addi %add3A_41, %add3A_42 : i32
    %dma_wait3A_44 = tpu.memref_slice %arg3[%add3A_43] : memref<320000xi32, #tpu.memory_space<hbm>> -> memref<120xi32, #tpu.memory_space<hbm>>
    %dma_wait3A_45 = tpu.memref_slice %arg3[%add3A_43] : memref<320000xi32, #tpu.memory_space<hbm>> -> memref<120xi32, #tpu.memory_space<hbm>>
    tpu.wait_dma2 semaphore(%arg17 : memref<!tpu.dma_semaphore, #tpu.memory_space<semaphore_mem>>) src(%dma_wait3A_45 : memref<120xi32, #tpu.memory_space<hbm>>) dst(%arg11 : memref<120xi32, #tpu.memory_space<vmem>>)
    %dma_start3A_46 = arith.constant 0 : i32
    %dma_start3A_47 = arith.constant 0 : i32
    %dma_start3A_48 = tpu.memref_slice %arg8[%dma_start3A_46, %dma_start3A_47] : memref<240x128xf32, #tpu.memory_space<vmem>> -> memref<120x128xf32, #tpu.memory_space<vmem>>
    %dma_start3A_49 = arith.constant 0 : i32
    %dma_start3A_50 = arith.constant 0 : i32
    %dma_start3A_51 = tpu.memref_slice %arg16[%dma_start3A_49, %dma_start3A_50] : memref<1024x128xf32, #tpu.memory_space<vmem_shared>> -> memref<1024x128xf32, #tpu.memory_space<vmem_shared>>
    tpu.enqueue_indirect_dma source(%dma_start3A_48 : memref<120x128xf32, #tpu.memory_space<vmem>>) target(%dma_start3A_51 : memref<1024x128xf32, #tpu.memory_space<vmem_shared>>) offsets(%arg10 : memref<120xi32, #tpu.memory_space<vmem>>) semaphore(%arg19 : memref<!tpu.dma_semaphore, #tpu.memory_space<semaphore_mem>>) {add = true}
    %dma_start3A_52 = arith.constant 120 : i32
    %dma_start3A_53 = arith.constant 0 : i32
    %dma_start3A_54 = tpu.memref_slice %arg8[%dma_start3A_52, %dma_start3A_53] : memref<240x128xf32, #tpu.memory_space<vmem>> -> memref<120x128xf32, #tpu.memory_space<vmem>>
    %dma_start3A_55 = arith.constant 0 : i32
    %dma_start3A_56 = arith.constant 0 : i32
    %dma_start3A_57 = tpu.memref_slice %arg16[%dma_start3A_55, %dma_start3A_56] : memref<1024x128xf32, #tpu.memory_space<vmem_shared>> -> memref<1024x128xf32, #tpu.memory_space<vmem_shared>>
    tpu.enqueue_indirect_dma source(%dma_start3A_54 : memref<120x128xf32, #tpu.memory_space<vmem>>) target(%dma_start3A_57 : memref<1024x128xf32, #tpu.memory_space<vmem_shared>>) offsets(%arg11 : memref<120xi32, #tpu.memory_space<vmem>>) semaphore(%arg19 : memref<!tpu.dma_semaphore, #tpu.memory_space<semaphore_mem>>) {add = true}
    %iota3A = tpu.iota {dimensions = array<i32: 0>} : vector<16xi32>
    %broadcast_in_dim3A = arith.constant 1.000000e+00 : f32
    %broadcast_in_dim3A_58 = vector.broadcast %broadcast_in_dim3A : f32 to vector<16xf32>
    %scan3A_59 = arith.constant 0 : i32
    %scan3A_60 = arith.constant 0 : i32
    %scan3A_61 = arith.constant 625 : i32
    %scan3A_62 = arith.addi %scan3A_60, %scan3A_61 : i32
    %scan3A_63 = arith.constant 1 : i32
    scf.for %scan3A_92 = %scan3A_60 to %scan3A_62 step %scan3A_63  : i32 {
      %mul3A_93 = arith.constant 16 : i32
      %mul3A_94 = arith.muli %scan3A_92, %mul3A_93 : i32
      %get3A = arith.index_cast %mul3A_94 : i32 to index
      %get3A_95 = tpu.vector_load %arg14[%get3A] {strides = array<i32>} : memref<10000xi32, #tpu.memory_space<vmem>>, vector<16xi32>,
      %shift_right_arithmetic3A = arith.constant 7 : i32
      %shift_right_arithmetic3A_96 = vector.broadcast %shift_right_arithmetic3A : i32 to vector<16xi32>
      %shift_right_arithmetic3A_97 = arith.shrsi %get3A_95, %shift_right_arithmetic3A_96 : vector<16xi32>
      %shift_left3A = arith.constant 11 : i32
      %shift_left3A_98 = vector.broadcast %shift_left3A : i32 to vector<16xi32>
      %shift_left3A_99 = arith.shli %shift_right_arithmetic3A_97, %shift_left3A_98 : vector<16xi32>
      %shift_left3A_100 = arith.constant 7 : i32
      %shift_left3A_101 = vector.broadcast %shift_left3A_100 : i32 to vector<16xi32>
      %shift_left3A_102 = arith.shli %iota3A, %shift_left3A_101 : vector<16xi32>
      %add3A_103 = arith.addi %shift_left3A_99, %shift_left3A_102 : vector<16xi32>
      %and3A = arith.constant 127 : i32
      %and3A_104 = vector.broadcast %and3A : i32 to vector<16xi32>
      %and3A_105 = arith.andi %get3A_95, %and3A_104 : vector<16xi32>
      %add3A_106 = arith.addi %add3A_103, %and3A_105 : vector<16xi32>
      tpu.vector_store_idx %arg15[%add3A_106], %broadcast_in_dim3A_58 {add = true} : memref<16384xf32, #tpu.memory_space<vmem>>[vector<16xi32>], vector<16xf32>,
    }
    %scan3A_64 = arith.constant 625 : i32
    "tpu.region"() ({
      %run_scoped3A = tpu.sem_alloc : memref<!tpu.dma_semaphore, #tpu.memory_space<semaphore_mem>>
      %dma_start3A_92 = arith.constant 0 : i32
      %dma_start3A_93 = tpu.memref_slice %arg7[%add3A, %dma_start3A_92] : memref<32x16384xf32, #tpu.memory_space<hbm>> -> memref<1x16384xf32, #tpu.memory_space<hbm>>
      %dma_start3A_94 = tpu.memref_squeeze %dma_start3A_93 : memref<1x16384xf32, #tpu.memory_space<hbm>> -> memref<16384xf32, #tpu.memory_space<hbm>>
      %dma_start3A_95 = arith.constant 0 : i32
      %dma_start3A_96 = tpu.memref_slice %arg7[%add3A, %dma_start3A_95] : memref<32x16384xf32, #tpu.memory_space<hbm>> -> memref<1x16384xf32, #tpu.memory_space<hbm>>
      %dma_start3A_97 = tpu.memref_squeeze %dma_start3A_96 : memref<1x16384xf32, #tpu.memory_space<hbm>> -> memref<16384xf32, #tpu.memory_space<hbm>>
      tpu.enqueue_dma source(%arg15 : memref<16384xf32, #tpu.memory_space<vmem>>) target(%dma_start3A_97 : memref<16384xf32, #tpu.memory_space<hbm>>) target_semaphore(%run_scoped3A : memref<!tpu.dma_semaphore, #tpu.memory_space<semaphore_mem>>)
      %dma_wait3A_98 = arith.constant 0 : i32
      %dma_wait3A_99 = tpu.memref_slice %arg7[%add3A, %dma_wait3A_98] : memref<32x16384xf32, #tpu.memory_space<hbm>> -> memref<1x16384xf32, #tpu.memory_space<hbm>>
      %dma_wait3A_100 = tpu.memref_squeeze %dma_wait3A_99 : memref<1x16384xf32, #tpu.memory_space<hbm>> -> memref<16384xf32, #tpu.memory_space<hbm>>
      %dma_wait3A_101 = arith.constant 0 : i32
      %dma_wait3A_102 = tpu.memref_slice %arg7[%add3A, %dma_wait3A_101] : memref<32x16384xf32, #tpu.memory_space<hbm>> -> memref<1x16384xf32, #tpu.memory_space<hbm>>
      %dma_wait3A_103 = tpu.memref_squeeze %dma_wait3A_102 : memref<1x16384xf32, #tpu.memory_space<hbm>> -> memref<16384xf32, #tpu.memory_space<hbm>>
      tpu.wait_dma2 semaphore(%run_scoped3A : memref<!tpu.dma_semaphore, #tpu.memory_space<semaphore_mem>>) src(%arg15 : memref<16384xf32, #tpu.memory_space<vmem>>) dst(%dma_wait3A_103 : memref<16384xf32, #tpu.memory_space<hbm>>)
      tpu.yield
    }) : () -> ()
    %dma_wait3A_65 = arith.constant 0 : i32
    %dma_wait3A_66 = arith.constant 0 : i32
    %dma_wait3A_67 = tpu.memref_slice %arg8[%dma_wait3A_65, %dma_wait3A_66] : memref<240x128xf32, #tpu.memory_space<vmem>> -> memref<120x128xf32, #tpu.memory_space<vmem>>
    %dma_wait3A_68 = arith.constant 0 : i32
    %dma_wait3A_69 = arith.constant 0 : i32
    %dma_wait3A_70 = tpu.memref_slice %arg16[%dma_wait3A_68, %dma_wait3A_69] : memref<1024x128xf32, #tpu.memory_space<vmem_shared>> -> memref<1024x128xf32, #tpu.memory_space<vmem_shared>>
    tpu.wait_indirect_dma semaphore(%arg19 : memref<!tpu.dma_semaphore, #tpu.memory_space<semaphore_mem>>) src(%dma_wait3A_67 : memref<120x128xf32, #tpu.memory_space<vmem>>) dst(%dma_wait3A_70 : memref<1024x128xf32, #tpu.memory_space<vmem_shared>>)
    %dma_wait3A_71 = arith.constant 120 : i32
    %dma_wait3A_72 = arith.constant 0 : i32
    %dma_wait3A_73 = tpu.memref_slice %arg8[%dma_wait3A_71, %dma_wait3A_72] : memref<240x128xf32, #tpu.memory_space<vmem>> -> memref<120x128xf32, #tpu.memory_space<vmem>>
    %dma_wait3A_74 = arith.constant 0 : i32
    %dma_wait3A_75 = arith.constant 0 : i32
    %dma_wait3A_76 = tpu.memref_slice %arg16[%dma_wait3A_74, %dma_wait3A_75] : memref<1024x128xf32, #tpu.memory_space<vmem_shared>> -> memref<1024x128xf32, #tpu.memory_space<vmem_shared>>
    tpu.wait_indirect_dma semaphore(%arg19 : memref<!tpu.dma_semaphore, #tpu.memory_space<semaphore_mem>>) src(%dma_wait3A_73 : memref<120x128xf32, #tpu.memory_space<vmem>>) dst(%dma_wait3A_76 : memref<1024x128xf32, #tpu.memory_space<vmem_shared>>)
    %dma_wait3A_77 = arith.constant 0 : i32
    %dma_wait3A_78 = arith.constant 0 : i32
    %dma_wait3A_79 = tpu.memref_slice %arg9[%dma_wait3A_77, %dma_wait3A_78] : memref<240x128xf32, #tpu.memory_space<vmem>> -> memref<120x128xf32, #tpu.memory_space<vmem>>
    %dma_wait3A_80 = arith.constant 0 : i32
    %dma_wait3A_81 = arith.constant 0 : i32
    %dma_wait3A_82 = tpu.memref_slice %arg16[%dma_wait3A_80, %dma_wait3A_81] : memref<1024x128xf32, #tpu.memory_space<vmem_shared>> -> memref<1024x128xf32, #tpu.memory_space<vmem_shared>>
    tpu.wait_indirect_dma semaphore(%arg20 : memref<!tpu.dma_semaphore, #tpu.memory_space<semaphore_mem>>) src(%dma_wait3A_79 : memref<120x128xf32, #tpu.memory_space<vmem>>) dst(%dma_wait3A_82 : memref<1024x128xf32, #tpu.memory_space<vmem_shared>>)
    %dma_wait3A_83 = arith.constant 120 : i32
    %dma_wait3A_84 = arith.constant 0 : i32
    %dma_wait3A_85 = tpu.memref_slice %arg9[%dma_wait3A_83, %dma_wait3A_84] : memref<240x128xf32, #tpu.memory_space<vmem>> -> memref<120x128xf32, #tpu.memory_space<vmem>>
    %dma_wait3A_86 = arith.constant 0 : i32
    %dma_wait3A_87 = arith.constant 0 : i32
    %dma_wait3A_88 = tpu.memref_slice %arg16[%dma_wait3A_86, %dma_wait3A_87] : memref<1024x128xf32, #tpu.memory_space<vmem_shared>> -> memref<1024x128xf32, #tpu.memory_space<vmem_shared>>
    tpu.wait_indirect_dma semaphore(%arg20 : memref<!tpu.dma_semaphore, #tpu.memory_space<semaphore_mem>>) src(%dma_wait3A_85 : memref<120x128xf32, #tpu.memory_space<vmem>>) dst(%dma_wait3A_88 : memref<1024x128xf32, #tpu.memory_space<vmem_shared>>)
    %barrier3A_89 = arith.constant 0 : index
    tpu.barrier barrier_id(%barrier3A_89)
    %eq3A = arith.constant 0 : i32
    %eq3A_90 = arith.cmpi eq, %arg1, %eq3A : i32
    %convert_element_type3A = arith.extui %eq3A_90 : i1 to i32
    %cond3A = arith.constant 0 : i32
    %cond3A_91 = arith.cmpi ne, %convert_element_type3A, %cond3A : i32
    scf.if %cond3A_91 {
      "tpu.region"() ({
        %run_scoped3A = tpu.sem_alloc : memref<!tpu.dma_semaphore, #tpu.memory_space<semaphore_mem>>
        %dma_start3A_92 = arith.constant 0 : i32
        %dma_start3A_93 = arith.constant 0 : i32
        %dma_start3A_94 = tpu.memref_slice %arg6[%arg0, %dma_start3A_92, %dma_start3A_93] : memref<2x1024x128xf32, #tpu.memory_space<hbm>> -> memref<1x1024x128xf32, #tpu.memory_space<hbm>>
        %dma_start3A_95 = tpu.memref_squeeze %dma_start3A_94 : memref<1x1024x128xf32, #tpu.memory_space<hbm>> -> memref<1024x128xf32, #tpu.memory_space<hbm>>
        tpu.enqueue_dma source(%arg16 : memref<1024x128xf32, #tpu.memory_space<vmem_shared>>) target(%dma_start3A_95 : memref<1024x128xf32, #tpu.memory_space<hbm>>) target_semaphore(%run_scoped3A : memref<!tpu.dma_semaphore, #tpu.memory_space<semaphore_mem>>)
        %dma_wait3A_96 = arith.constant 0 : i32
        %dma_wait3A_97 = arith.constant 0 : i32
        %dma_wait3A_98 = tpu.memref_slice %arg6[%arg0, %dma_wait3A_96, %dma_wait3A_97] : memref<2x1024x128xf32, #tpu.memory_space<hbm>> -> memref<1x1024x128xf32, #tpu.memory_space<hbm>>
        %dma_wait3A_99 = tpu.memref_squeeze %dma_wait3A_98 : memref<1x1024x128xf32, #tpu.memory_space<hbm>> -> memref<1024x128xf32, #tpu.memory_space<hbm>>
        tpu.wait_dma2 semaphore(%run_scoped3A : memref<!tpu.dma_semaphore, #tpu.memory_space<semaphore_mem>>) src(%arg16 : memref<1024x128xf32, #tpu.memory_space<vmem_shared>>) dst(%dma_wait3A_99 : memref<1024x128xf32, #tpu.memory_space<hbm>>)
        tpu.yield
      }) : () -> ()
    } else {
    }
    return
  }
}

module attributes {stable_mosaic.version = 14 : i64} {
  func.func @_tc_partial_body(%arg0: i32, %arg1: memref<2x1x512xi32, #tpu.memory_space<vmem>>, %arg2: memref<1024x128xf32, #tpu.memory_space<vmem>>, %arg3: memref<1024x128xf32, #tpu.memory_space<vmem>>) attributes {dimension_semantics = [#tpu.dimension_semantics<arbitrary>], iteration_bounds = array<i64: 80>, scalar_prefetch = 0 : i64, scratch_operands = 0 : i64, tpu.core_type = #tpu.core_type<tc>, window_params = [{transform_indices = @transform_0, window_bounds = array<i64: 2, 1, 512>}, {transform_indices = @transform_1, window_bounds = array<i64: 1024, 128>}, {pipeline_mode = #tpu.pipeline_mode<synchronous>, transform_indices = @transform_2, window_bounds = array<i64: 1024, 128>}]} {
    %eq3A = arith.constant 0 : i32
    %eq3A_0 = arith.cmpi eq, %arg0, %eq3A : i32
    %convert_element_type3A = arith.extui %eq3A_0 : i1 to i32
    %cond3A = arith.constant 0 : i32
    %cond3A_1 = arith.cmpi ne, %convert_element_type3A, %cond3A : i32
    scf.if %cond3A_1 {
      %broadcast_in_dim3A = arith.constant 0.000000e+00 : f32
      %broadcast_in_dim3A_35 = vector.broadcast %broadcast_in_dim3A : f32 to vector<1024x128xf32>
      %swap3A_36 = arith.constant 0 : index
      %swap3A_37 = arith.constant 0 : index
      %swap3A_38 = vector.load %arg3[%swap3A_36, %swap3A_37] : memref<1024x128xf32, #tpu.memory_space<vmem>>, vector<1024x128xf32>
      tpu.vector_store %arg3[%swap3A_36, %swap3A_37], %broadcast_in_dim3A_35 {strides = array<i32>} : memref<1024x128xf32, #tpu.memory_space<vmem>>, vector<1024x128xf32>,
    } else {
    }
    %get3A = arith.constant 0 : index
    %get3A_2 = arith.constant 0 : index
    %get3A_3 = vector.load %arg2[%get3A, %get3A_2] : memref<1024x128xf32, #tpu.memory_space<vmem>>, vector<1024x128xf32>
    %convert_element_type3A_4 = arith.truncf %get3A_3 : vector<1024x128xf32> to vector<1024x128xbf16>
    %iota3A = tpu.iota {dimensions = array<i32: 0>} : vector<1024x512xi32>
    %get3A_5 = arith.constant 0 : index
    %get3A_6 = arith.constant 0 : index
    %get3A_7 = arith.constant 0 : index
    %get3A_8 = vector.load %arg1[%get3A_5, %get3A_6, %get3A_7] : memref<2x1x512xi32, #tpu.memory_space<vmem>>, vector<1x1x512xi32>
    %get3A_9 = vector.shape_cast %get3A_8 : vector<1x1x512xi32> to vector<1x512xi32>
    %eq3A_10 = vector.broadcast %get3A_9 : vector<1x512xi32> to vector<1024x512xi32>
    %eq3A_11 = arith.cmpi eq, %iota3A, %eq3A_10 : vector<1024x512xi32>
    %convert_element_type3A_12 = arith.extui %eq3A_11 : vector<1024x512xi1> to vector<1024x512xi32>
    %convert_element_type3A_13 = arith.sitofp %convert_element_type3A_12 : vector<1024x512xi32> to vector<1024x512xf32>
    %convert_element_type3A_14 = arith.truncf %convert_element_type3A_13 : vector<1024x512xf32> to vector<1024x512xbf16>
    %slice3A = vector.extract_strided_slice %convert_element_type3A_4 {offsets = [0, 0], sizes = [512, 128], strides = [1, 1]} : vector<1024x128xbf16> to vector<512x128xbf16>
    %dot_general3A = arith.constant dense<0.000000e+00> : vector<1024x128xf32>
    %dot_general3A_15 = tpu.matmul %convert_element_type3A_14, %slice3A, %dot_general3A {dimension_numbers = #tpu.dot_dimension_numbers<[1], [0], [0], [1], [0, 0, 1, 1], [], []>, transpose_lhs_hint = false} : vector<1024x512xbf16>, vector<512x128xbf16>, vector<1024x128xf32> -> vector<1024x128xf32>
    %get3A_16 = arith.constant 1 : index
    %get3A_17 = arith.constant 0 : index
    %get3A_18 = arith.constant 0 : index
    %get3A_19 = vector.load %arg1[%get3A_16, %get3A_17, %get3A_18] : memref<2x1x512xi32, #tpu.memory_space<vmem>>, vector<1x1x512xi32>
    %get3A_20 = vector.shape_cast %get3A_19 : vector<1x1x512xi32> to vector<1x512xi32>
    %eq3A_21 = vector.broadcast %get3A_20 : vector<1x512xi32> to vector<1024x512xi32>
    %eq3A_22 = arith.cmpi eq, %iota3A, %eq3A_21 : vector<1024x512xi32>
    %convert_element_type3A_23 = arith.extui %eq3A_22 : vector<1024x512xi1> to vector<1024x512xi32>
    %convert_element_type3A_24 = arith.sitofp %convert_element_type3A_23 : vector<1024x512xi32> to vector<1024x512xf32>
    %convert_element_type3A_25 = arith.truncf %convert_element_type3A_24 : vector<1024x512xf32> to vector<1024x512xbf16>
    %slice3A_26 = vector.extract_strided_slice %convert_element_type3A_4 {offsets = [512, 0], sizes = [512, 128], strides = [1, 1]} : vector<1024x128xbf16> to vector<512x128xbf16>
    %dot_general3A_27 = arith.constant dense<0.000000e+00> : vector<1024x128xf32>
    %dot_general3A_28 = tpu.matmul %convert_element_type3A_25, %slice3A_26, %dot_general3A_27 {dimension_numbers = #tpu.dot_dimension_numbers<[1], [0], [0], [1], [0, 0, 1, 1], [], []>, transpose_lhs_hint = false} : vector<1024x512xbf16>, vector<512x128xbf16>, vector<1024x128xf32> -> vector<1024x128xf32>
    %add3A = arith.addf %dot_general3A_15, %dot_general3A_28 : vector<1024x128xf32>
    %get3A_29 = arith.constant 0 : index
    %get3A_30 = arith.constant 0 : index
    %get3A_31 = vector.load %arg3[%get3A_29, %get3A_30] : memref<1024x128xf32, #tpu.memory_space<vmem>>, vector<1024x128xf32>
    %add3A_32 = arith.addf %get3A_31, %add3A : vector<1024x128xf32>
    %swap3A = arith.constant 0 : index
    %swap3A_33 = arith.constant 0 : index
    %swap3A_34 = vector.load %arg3[%swap3A, %swap3A_33] : memref<1024x128xf32, #tpu.memory_space<vmem>>, vector<1024x128xf32>
    tpu.vector_store %arg3[%swap3A, %swap3A_33], %add3A_32 {strides = array<i32>} : memref<1024x128xf32, #tpu.memory_space<vmem>>, vector<1024x128xf32>,
    return
  }
  func.func @transform_0(%arg0: i32) -> (i32, i32, i32) {
    %c0_i32 = arith.constant 0 : i32
    %c0_i32_0 = arith.constant 0 : i32
    %c0_i32_1 = arith.constant 0 : i32
    return %arg0, %c0_i32, %c0_i32_0 : i32, i32, i32
  }
  func.func @transform_1(%arg0: i32) -> (i32, i32) {
    %c0_i32 = arith.constant 0 : i32
    %c0_i32_0 = arith.constant 0 : i32
    return %arg0, %c0_i32 : i32, i32
  }
  func.func @transform_2(%arg0: i32) -> (i32, i32) {
    %c0_i32 = arith.constant 0 : i32
    %c0_i32_0 = arith.constant 0 : i32
    %c0_i32_1 = arith.constant 0 : i32
    return %c0_i32, %c0_i32_0 : i32, i32
  }
}

module attributes {stable_mosaic.version = 14 : i64} {
  func.func @_tc_body(%arg0: memref<2x1024x128xf32, #tpu.memory_space<vmem>>, %arg1: memref<32x128x128xf32, #tpu.memory_space<vmem>>, %arg2: memref<1024x128xf32, #tpu.memory_space<vmem>>, %arg3: memref<128x1000xf32, #tpu.memory_space<vmem>>, %arg4: memref<1x128xf32, #tpu.memory_space<vmem>>) attributes {dimension_semantics = [], scalar_prefetch = 0 : i64, scratch_operands = 0 : i64, tpu.core_type = #tpu.core_type<tc>} {
    %get3A = arith.constant 0 : index
    %get3A_0 = arith.constant 0 : index
    %get3A_1 = arith.constant 0 : index
    %get3A_2 = vector.load %arg0[%get3A, %get3A_0, %get3A_1] : memref<2x1024x128xf32, #tpu.memory_space<vmem>>, vector<1x1024x128xf32>
    %get3A_3 = vector.shape_cast %get3A_2 : vector<1x1024x128xf32> to vector<1024x128xf32>
    %get3A_4 = arith.constant 1 : index
    %get3A_5 = arith.constant 0 : index
    %get3A_6 = arith.constant 0 : index
    %get3A_7 = vector.load %arg0[%get3A_4, %get3A_5, %get3A_6] : memref<2x1024x128xf32, #tpu.memory_space<vmem>>, vector<1x1024x128xf32>
    %get3A_8 = vector.shape_cast %get3A_7 : vector<1x1024x128xf32> to vector<1024x128xf32>
    %add3A = arith.addf %get3A_3, %get3A_8 : vector<1024x128xf32>
    %get3A_9 = arith.constant 0 : index
    %get3A_10 = arith.constant 0 : index
    %get3A_11 = vector.load %arg2[%get3A_9, %get3A_10] : memref<1024x128xf32, #tpu.memory_space<vmem>>, vector<1024x128xf32>
    %add3A_12 = arith.addf %add3A, %get3A_11 : vector<1024x128xf32>
    %get3A_13 = arith.constant 0 : index
    %get3A_14 = arith.constant 0 : index
    %get3A_15 = arith.constant 0 : index
    %get3A_16 = vector.load %arg1[%get3A_13, %get3A_14, %get3A_15] : memref<32x128x128xf32, #tpu.memory_space<vmem>>, vector<32x128x128xf32>
    %reduce_sum3A = arith.constant dense<0.000000e+00> : vector<128x128xf32>
    %reduce_sum3A_17 = vector.multi_reduction <add>, %get3A_16, %reduce_sum3A [0] : vector<32x128x128xf32> to vector<128x128xf32>
    %reshape3A = vector.shape_cast %reduce_sum3A_17 : vector<128x128xf32> to vector<8x16x128xf32>
    %reduce_sum3A_18 = arith.constant dense<0.000000e+00> : vector<8x128xf32>
    %reduce_sum3A_19 = vector.multi_reduction <add>, %reshape3A, %reduce_sum3A_18 [1] : vector<8x16x128xf32> to vector<8x128xf32>
    %iota3A = tpu.iota {dimensions = array<i32: 0>} : vector<1024x1xi32>
    %iota3A_20 = tpu.iota {dimensions = array<i32: 1>} : vector<1024x8xi32>
    %shift_right_arithmetic3A = arith.constant 7 : i32
    %shift_right_arithmetic3A_21 = vector.broadcast %shift_right_arithmetic3A : i32 to vector<1024x1xi32>
    %shift_right_arithmetic3A_22 = arith.shrsi %iota3A, %shift_right_arithmetic3A_21 : vector<1024x1xi32>
    %eq3A = vector.broadcast %shift_right_arithmetic3A_22 : vector<1024x1xi32> to vector<1024x8xi32>
    %eq3A_23 = arith.cmpi eq, %iota3A_20, %eq3A : vector<1024x8xi32>
    %convert_element_type3A = arith.extui %eq3A_23 : vector<1024x8xi1> to vector<1024x8xi32>
    %convert_element_type3A_24 = arith.sitofp %convert_element_type3A : vector<1024x8xi32> to vector<1024x8xf32>
    %dot_general3A = arith.constant dense<0.000000e+00> : vector<1024x128xf32>
    %dot_general3A_25 = tpu.matmul %convert_element_type3A_24, %reduce_sum3A_19, %dot_general3A {dimension_numbers = #tpu.dot_dimension_numbers<[1], [0], [0], [1], [0, 0, 1, 1], [], []>, transpose_lhs_hint = false} : vector<1024x8xf32>, vector<8x128xf32>, vector<1024x128xf32> -> vector<1024x128xf32>
    %iota3A_26 = tpu.iota {dimensions = array<i32: 1>} : vector<1024x128xi32>
    %and3A = arith.constant 127 : i32
    %and3A_27 = vector.broadcast %and3A : i32 to vector<1024x1xi32>
    %and3A_28 = arith.andi %iota3A, %and3A_27 : vector<1024x1xi32>
    %eq3A_29 = vector.broadcast %and3A_28 : vector<1024x1xi32> to vector<1024x128xi32>
    %eq3A_30 = arith.cmpi eq, %iota3A_26, %eq3A_29 : vector<1024x128xi32>
    %convert_element_type3A_31 = arith.extui %eq3A_30 : vector<1024x128xi1> to vector<1024x128xi32>
    %convert_element_type3A_32 = arith.sitofp %convert_element_type3A_31 : vector<1024x128xi32> to vector<1024x128xf32>
    %mul3A = arith.mulf %dot_general3A_25, %convert_element_type3A_32 : vector<1024x128xf32>
    %reduce_sum3A_33 = arith.constant dense<0.000000e+00> : vector<1024xf32>
    %reduce_sum3A_34 = vector.multi_reduction <add>, %mul3A, %reduce_sum3A_33 [1] : vector<1024x128xf32> to vector<1024xf32>
    %broadcast_in_dim3A = vector.shape_cast %reduce_sum3A_34 : vector<1024xf32> to vector<1024x1xf32>
    %reduce_sum3A_35 = arith.constant dense<0.000000e+00> : vector<128xf32>
    %reduce_sum3A_36 = vector.multi_reduction <add>, %add3A_12, %reduce_sum3A_35 [0] : vector<1024x128xf32> to vector<128xf32>
    %broadcast_in_dim3A_37 = vector.shape_cast %reduce_sum3A_36 : vector<128xf32> to vector<1x128xf32>
    %div3A = arith.constant 3.200000e+05 : f32
    %div3A_38 = vector.broadcast %div3A : f32 to vector<1x128xf32>
    %div3A_39 = arith.divf %broadcast_in_dim3A_37, %div3A_38 : vector<1x128xf32>
    %gt3A = arith.constant 0.000000e+00 : f32
    %gt3A_40 = vector.broadcast %gt3A : f32 to vector<1024x1xf32>
    %gt3A_41 = arith.cmpf ogt, %broadcast_in_dim3A, %gt3A_40 : vector<1024x1xf32>
    %jit3A = arith.constant 1.000000e+00 : f32
    %broadcast_in_dim3A_42 = vector.broadcast %jit3A : f32 to vector<1024x1xf32>
    %select_n3A = arith.select %gt3A_41, %broadcast_in_dim3A, %broadcast_in_dim3A_42 : vector<1024x1xi1>, vector<1024x1xf32>
    %div3A_43 = vector.broadcast %select_n3A : vector<1024x1xf32> to vector<1024x128xf32>
    %div3A_44 = arith.divf %add3A_12, %div3A_43 : vector<1024x128xf32>
    %sub3A = vector.broadcast %div3A_39 : vector<1x128xf32> to vector<1024x128xf32>
    %sub3A_45 = arith.subf %div3A_44, %sub3A : vector<1024x128xf32>
    %broadcast_in_dim3A_46 = vector.shape_cast %gt3A_41 : vector<1024x1xi1> to vector<1024x1xi1>
    %broadcast_in_dim3A_47 = vector.broadcast %broadcast_in_dim3A_46 : vector<1024x1xi1> to vector<1024x128xi1>
    %broadcast_in_dim3A_48 = vector.shape_cast %div3A_39 : vector<1x128xf32> to vector<1x128xf32>
    %broadcast_in_dim3A_49 = vector.broadcast %broadcast_in_dim3A_48 : vector<1x128xf32> to vector<1024x128xf32>
    %select_n3A_50 = arith.select %broadcast_in_dim3A_47, %sub3A_45, %broadcast_in_dim3A_49 : vector<1024x128xi1>, vector<1024x128xf32>
    %transpose3A = tpu.transpose %select_n3A_50, [1, 0] : vector<1024x128xf32> -> vector<128x1024xf32>
    %slice3A = vector.extract_strided_slice %transpose3A {offsets = [0, 0], sizes = [128, 1000], strides = [1, 1]} : vector<128x1024xf32> to vector<128x1000xf32>
    %mul3A_51 = arith.mulf %slice3A, %slice3A : vector<128x1000xf32>
    %reduce_sum3A_52 = vector.shape_cast %mul3A_51 : vector<128x1000xf32> to vector<1x128x1000xf32>
    %reduce_sum3A_53 = arith.constant dense<0.000000e+00> : vector<1xf32>
    %reduce_sum3A_54 = vector.multi_reduction <add>, %reduce_sum3A_52, %reduce_sum3A_53 [1, 2] : vector<1x128x1000xf32> to vector<1xf32>
    %reduce_sum3A_55 = vector.shape_cast %reduce_sum3A_54 : vector<1xf32> to vector<1x1x1xf32>
    %reduce_sum3A_56 = vector.extract %reduce_sum3A_55[0, 0, 0] : f32 from vector<1x1x1xf32>
    %sqrt3A = math.sqrt %reduce_sum3A_56 : f32
    %div3A_57 = vector.broadcast %sqrt3A : f32 to vector<128x1000xf32>
    %div3A_58 = arith.divf %slice3A, %div3A_57 : vector<128x1000xf32>
    %swap3A = arith.constant 0 : index
    %swap3A_59 = arith.constant 0 : index
    %swap3A_60 = vector.load %arg3[%swap3A, %swap3A_59] : memref<128x1000xf32, #tpu.memory_space<vmem>>, vector<128x1000xf32>
    tpu.vector_store %arg3[%swap3A, %swap3A_59], %div3A_58 {strides = array<i32>} : memref<128x1000xf32, #tpu.memory_space<vmem>>, vector<128x1000xf32>,
    %swap3A_61 = arith.constant 0 : index
    %swap3A_62 = arith.constant 0 : index
    %swap3A_63 = vector.load %arg4[%swap3A_61, %swap3A_62] : memref<1x128xf32, #tpu.memory_space<vmem>>, vector<1x128xf32>
    tpu.vector_store %arg4[%swap3A_61, %swap3A_62], %div3A_39 {strides = array<i32>} : memref<1x128xf32, #tpu.memory_space<vmem>>, vector<1x128xf32>,
    return
  }
}

</mosaic_0001>

<sc_bundles>
// kernel: kernel.5.cloned.1.call-start
scs
__scs_entry_jumppad:
0x0: {  	(pc) =	sbr.rel $0x88, $3  }
0x1: {  	(tag) =	ssettag $0x0;
	lr =	simm.s32 $0x1  }
0x2: {  	[smem:$0x3F9F] =	sst lr;
	_ =	strace $0xD0000000  }
0x3: {  	_ = 	snop  }
0x4: {  	_ = 	snop  }
0x5: {  	_ = 	snop  }
0x6: {  	_ = 	snop  }
0x7: {  	_ = 	snop  }
__scs_overlays_trampoline_lowered:
0x8: {  	[smem:$0x3FAE] =	sst s0  }
0x9: {  	[smem:$0x3FAF] =	sst s1  }
0xa: {  	[smem:$0x3FB0] =	sst s2  }
0xb: {  	[smem:$0x3FB1] =	sst s3  }
0xc: {  	[smem:$0x3FB2] =	sst s4  }
0xd: {  	[smem:$0x3FB3] =	sst s5  }
0xe: {  	[smem:$0x3FB4] =	sst s6  }
0xf: {  	[smem:$0x3FB5] =	sst s7  }
0x10: {  	[smem:$0x3FB6] =	sst s8  }
0x11: {  	[smem:$0x3FB7] =	sst s9;
	s0 =	simm.s32 @!p0 $0x0  }
0x12: {  	s1 =	sld [smem:$0x3F9D];
	s0 =	simm.s32 @p0 $0x1  }
0x13: {  	[smem:$0x3FB8] =	sst s0;
	s0 =	simm.s32 @!p1 $0x0  }
0x14: {  	s2 =	sld [smem:$0x3F9C];
	s0 =	simm.s32 @p1 $0x1  }
0x15: {  	[smem:$0x3FB9] =	sst s0;
	s0 =	simm.s32 @!p2 $0x0  }
0x16: {  	s3 =	sld [smem:$0x3FDB];
	s0 =	simm.s32 @p2 $0x1  }
0x17: {  	s4 =	simm.s32 $0x1BF5;
	[smem:$0x3FBB] =	sst s0  }
0x18: {  	s0 =	sld [smem:$0x3F9E];
	_ =	swait.ge [sflag:s4], $0x0  }
0x19: {  	s7 =	sld [smem:$0x3F9F]  }
0x1a: {  	s8 =	sadd.s32 $0xFFFFE003, lr  }
0x1b: {  	s9 =	sadd.s32 $0xFFFFFEF7, lr;
	s5 =	simm.s32 $0xFFFFFFFF;
	p2 =	slt.u32 s8, $0xFFFFF086  }
0x1c: {  	p1 =	slt.u32 s9, $0xF7A;
	s5 =	simm.s32 @!p2 $0x0  }
0x1d: {  	s5 =	simm.s32 @p1 $0x1;
	p0 =	seq.s32 s7, s2  }
0x1e: {  	s7 =	smul.u32 @!p0 $0xF7A, s2;
	p2 =	seq.s32 @!p0 s5, $0x0  }
0x1f: {  	s9 =	smul.u32 $0xF7A, s1;
	s8 =	simm.s32 @!p0 $0x1BF5;
	p2 =	por !p2, p0  }
0x20: {  	[sflag:s8] =	ssyncset.s32 @!p0 $0xFFFFF086;
	s6 =	sadd.s32 @!p0 s3, s7;
	s7 =	simm.s32 @!p0 $0x108  }
0x21: {  	s3 =	sadd.s32 s3, s9;
	s6 =	sadd.s32 @!p0 $0x88, s6;
	s7 =	simm.s32 @p2 $0x1082  }
0x22: {  	[simem:s7], [sflag:s8] =	dma.local @!p0 [hbm:s6], $0xF7A  }
0x23: {  	s9 =	sor.u32 $0xD0000000, s2;
	s6 =	simm.s32 $0x108;
	_ =	swait.ge @!p0 [sflag:s8], $0x0  }
0x24: {  	s3 =	sadd.s32 $0x88, s3;
	s6 =	simm.s32 @!p1 $0x1082;
	[sflag:s4] =	ssyncset.s32 $0xFFFFF086  }
0x25: {  	[simem:s6], [sflag:s4] =	dma.local [hbm:s3], $0xF7A  }
0x26: {  	[smem:$0x3F9F] =	sst s1;
	(tag) =	ssettag s2;
	_ =	strace s9  }
0x27: {  	s1 =	sld [smem:$0x3FAF]  }
0x28: {  	s2 =	sld [smem:$0x3FB0]  }
0x29: {  	s4 =	sld [smem:$0x3FB2]  }
0x2a: {  	p0 =	seq.s32 s5, $0x0;
	s5 =	sld [smem:$0x3FB3]  }
0x2b: {  	s6 =	sld [smem:$0x3FB4]  }
0x2c: {  	s7 =	sld [smem:$0x3FB5]  }
0x2d: {  	s3 =	simm.s32 $0x108;
	s8 =	sld [smem:$0x3FB6]  }
0x2e: {  	s3 =	simm.s32 @!p0 $0x1082;
	s9 =	sld [smem:$0x3FB7]  }
0x2f: {  	lr =	sadd.s32 s0, s3;
	s0 =	sld [smem:$0x3FAE]  }
0x30: {  	s3 =	sld [smem:$0x3FB1]  }
0x31: {  	[smem:$0x3FBA] =	sst s10  }
0x32: {  	s10 =	sld [smem:$0x3FB8];
	_ =	sdelay $0x3  }
0x33: {  	p0 =	seq.s32 s10, $0x1;
	s10 =	sld [smem:$0x3FBA];
	_ =	sdelay $0x3  }
0x34: {  	[smem:$0x3FBA] =	sst s10  }
0x35: {  	s10 =	sld [smem:$0x3FB9];
	_ =	sdelay $0x3  }
0x36: {  	p1 =	seq.s32 s10, $0x1;
	s10 =	sld [smem:$0x3FBA];
	_ =	sdelay $0x3  }
0x37: {  	[smem:$0x3FBA] =	sst s10  }
0x38: {  	s10 =	sld [smem:$0x3FBB]  }
0x39: {  	_ = 	snop;
	(pc) =	sbr.ind lr, $3  }
0x3a: {  	_ = 	snop  }
0x3b: {  	_ = 	snop  }
0x3c: {  	p2 =	seq.s32 s10, $0x1;
	s10 =	sld [smem:$0x3FBA]  }
0x3d: {  	_ =	shalt  }
0x3e: {  	_ =	shalt  }
0x3f: {  	_ =	shalt  }
0x40: {  	_ =	shalt  }
0x41: {  	_ =	shalt  }
0x42: {  	_ =	shalt  }
0x43: {  	_ =	shalt  }
0x44: {  	_ =	shalt  }
0x45: {  	_ =	shalt  }
0x46: {  	_ =	shalt  }
0x47: {  	_ =	shalt  }
0x48: {  	_ =	shalt  }
0x49: {  	_ =	shalt  }
0x4a: {  	_ =	shalt  }
0x4b: {  	_ =	shalt  }
0x4c: {  	_ =	shalt  }
0x4d: {  	_ =	shalt  }
0x4e: {  	_ =	shalt  }
0x4f: {  	_ =	shalt  }
0x50: {  	_ =	shalt  }
0x51: {  	_ =	shalt  }
0x52: {  	_ =	shalt  }
0x53: {  	_ =	shalt  }
0x54: {  	_ =	shalt  }
0x55: {  	_ =	shalt  }
0x56: {  	_ =	shalt  }
0x57: {  	_ =	shalt  }
0x58: {  	_ =	shalt  }
0x59: {  	_ =	shalt  }
0x5a: {  	_ =	shalt  }
0x5b: {  	_ =	shalt  }
0x5c: {  	_ =	shalt  }
0x5d: {  	_ =	shalt  }
0x5e: {  	_ =	shalt  }
0x5f: {  	_ =	shalt  }
0x60: {  	_ =	shalt  }
0x61: {  	_ =	shalt  }
0x62: {  	_ =	shalt  }
0x63: {  	_ =	shalt  }
0x64: {  	_ =	shalt  }
0x65: {  	_ =	shalt  }
0x66: {  	_ =	shalt  }
0x67: {  	_ =	shalt  }
0x68: {  	_ =	shalt  }
0x69: {  	_ =	shalt  }
0x6a: {  	_ =	shalt  }
0x6b: {  	_ =	shalt  }
0x6c: {  	_ =	shalt  }
0x6d: {  	_ =	shalt  }
0x6e: {  	_ =	shalt  }
0x6f: {  	_ =	shalt  }
0x70: {  	_ =	shalt  }
0x71: {  	_ =	shalt  }
0x72: {  	_ =	shalt  }
0x73: {  	_ =	shalt  }
0x74: {  	_ =	shalt  }
0x75: {  	_ =	shalt  }
0x76: {  	_ =	shalt  }
0x77: {  	_ =	shalt  }
0x78: {  	_ =	shalt  }
0x79: {  	_ =	shalt  }
0x7a: {  	_ =	shalt  }
0x7b: {  	_ =	shalt  }
0x7c: {  	_ =	shalt  }
0x7d: {  	_ =	shalt  }
0x7e: {  	_ =	shalt  }
0x7f: {  	_ =	shalt  }
0x80: {  	_ =	shalt  }
0x81: {  	_ =	shalt  }
0x82: {  	_ =	shalt  }
0x83: {  	_ =	shalt  }
0x84: {  	_ =	shalt  }
0x85: {  	_ =	shalt  }
0x86: {  	_ =	shalt  }
0x87: {  	_ =	shalt  }
.Lfunc_end0:
.L_simem_size_0:
called_computation_lowered:
.L_overlay_start_0:
0x88: {  	s2 =	sld [smem:$0x3FD9]  }
0x89: {  	s3 =	sld [smem:$0x3FFE];
	_ =	sdelay $0x1  }
0x8a: {  	s1 =	srdreg.scid  }
0x8b: {  	s0 =	sand.u32 $0x1, s1  }
0x8c: {  	s14 =	sshll.u32 s0, $0xA;
	s2 =	sadd.s32 s3, s2  }
0x8d: {  	s2 =	sadd.s32 s2, s14  }
0x8e: {  	[smem:$0x3FC6] =	sst s2  }
0x8f: {  	_ = 	snop  }
0x90: {  	s2 =	sld [smem:$0x3FD0];
	_ =	sdelay $0x1  }
0x91: {  	s15 =	sld [smem:$0x3FC9]  }
0x92: {  	s5 =	simm.s32 $0xA;
	s6 =	simm.s32 $0x10;
	s4 =	sld [smem:$0x3FC8]  }
0x93: {  	[smem:s6], [sflag:s5] =	dma.local [hbm:s2], $0x1  }
0x94: {  	_ =	swait.eq [sflag:s5], $0x1  }
0x95: {  	[sflag:s5] =	ssyncset.done $0x0  }
0x96: {  	[sflag:s5] =	ssyncadd.s32 $0xFFFFFFFF  }
0x97: {  	s16 =	sld [smem:$0x10];
	(tm) =	ssettm $0x1  }
0x98: {  	s17 =	sld [smem:$0x3FFB];
	_ =	sdelay $0x3  }
0x99: {  	_ =	strace s17  }
0x9a: {  	s5 =	sld [smem:$0x3FFC];
	_ =	sdelay $0x3  }
0x9b: {  	_ =	strace s5  }
0x9c: {  	s5 =	sld [smem:$0x3FFD];
	_ =	sdelay $0x3  }
0x9d: {  	_ =	strace s5  }
0x9e: {  	_ =	strace $0x8FFFFFFF  }
0x9f: {  	s18 =	sld [smem:$0x3FDB];
	_ =	sdelay $0x1  }
0xa0: {  	s19 =	simm.s32 $_scs_section_size  }
0xa1: {  	s7 =	simm.s32 $_size__tile_overlayer_lowered;
	s8 =	simm.s32 $_tile_overlayer_lowered  }
0xa2: {  	s22 =	simm.s32 $0x1BFF;
	s21 =	sshll.u32 s8, $0x1;
	s5 =	sadd.s32 s19, s18  }
0xa3: {  	s9 =	simm.s32 $0x0;
	s20 =	sshll.u32 s7, $0x1;
	s7 =	sadd.s32 s21, s5  }
0xa4: {  	[timem:s9], [sflag:s22] =	dma.local [hbm:s7], s20  }
0xa5: {  	_ =	swait.ge [sflag:s22], s20  }
0xa6: {  	s6 =	ssub.s32 $0x0, s20;
	[sflag:s22] =	ssyncset.done $0x0  }
0xa7: {  	[sflag:s22] =	ssyncadd.s32 s6;
	_ =	sdelay $0x1  }
0xa8: {  	s23 =	simm.s32 $0x1B8B  }
0xa9: {  	_ =	swait.ge [sflag:s23], $0x1  }
0xaa: {  	[sflag:s23] =	ssyncset.done $0x0  }
0xab: {  	s25 =	simm.s32 $0x1B8E;
	s24 =	sld [smem:$0x3FFE];
	[sflag:s23] =	ssyncadd.s32 $0xFFFFFFFF  }
0xac: {  	s26 =	simm.s32 $execute0_lowered;
	[smem:$0x3FD2] =	sst s25  }
0xad: {  	s7 =	sshll.u32 s26, $0x1;
	_ =	strace $0x80000046;
	[dreg:$0x1] =	wrdreg $0xFFFFFFFF  }
0xae: {  	s28 =	simm.s32 $_size_execute0_lowered;
	s5 =	sadd.s32 s5, s7;
	[dreg:$0x0] =	wrdreg $0x0  }
0xaf: {  	s7 =	sshll.u32 s28, $0x1;
	[dreg:$0x2] =	wrdreg s5  }
0xb0: {  	[dreg:$0x3] =	wrdreg s7  }
0xb1: {  	[dreg:$0x4] =	wrdreg $0xC0  }
0xb2: {  	_ =	task [dreg:s9], $0x5FFFF  }
0xb3: {  	[dreg:$0x1] =	wrdreg $0xFFFFFFFF  }
0xb4: {  	[dreg:$0x0] =	wrdreg $0x60  }
0xb5: {  	[dreg:$0x2] =	wrdreg s15  }
0xb6: {  	[dreg:$0x3] =	wrdreg s4  }
0xb7: {  	[dreg:$0x4] =	wrdreg s24  }
0xb8: {  	[dreg:$0x5] =	wrdreg s16  }
0xb9: {  	[dreg:$0x6] =	wrdreg $0x158F00  }
0xba: {  	[dreg:$0x7] =	wrdreg $0x9  }
0xbb: {  	_ =	task.clear_ibuf [dreg:s9], $0x8FFFF;
	_ =	strace $0x90000046  }
0xbc: {  	s29 =	simm.s32 $0x9;
	_ =	strace $0x80000048  }
0xbd: {  	_ =	swait.ge [sflag:s29], $0x1  }
0xbe: {  	[sflag:s29] =	ssyncadd.s32 $0xFFFFFFFF  }
0xbf: {  	_ =	strace $0x90000048  }
0xc0: {  	_ =	sfence  }
0xc1: {  	s30 =	sld [smem:$0x0];
	_ =	sdelay $0x2  }
0xc2: {  	s31 =	sshll.u32 s1, $0xD;
	s1 =	sshrl.u32 s1, $0x2  }
0xc3: {  	s3 =	sand.u32 $0x4000, s31;
	s1 =	sadd.s32 s1, s30  }
0xc4: {  	s0 =	sor.u32 s3, s0;
	s1 =	sshll.u32 s1, $0x11  }
0xc5: {  	s0 =	sor.u32 s1, s0  }
0xc6: {  	s0 =	sadd.s32 $0x8F2B, s0  }
0xc7: {  	[sflag:s0] =	ssyncadd.remote.s32 $0x1  }
0xc8: {  	_ =	sfence.sel $0xFFFF  }
0xc9: {  	[dreg:$0x0] =	wrdreg $0xFFFFFFFF;
	(pc) =	sbr.abs _section_cstart, $3  }
0xca: {  	[dreg:$0x1] =	wrdreg $0xFFFFFFFF  }
0xcb: {  	_ =	task.clear_ibuf [dreg:s9], $0x2FFFF;
	_ =	strace $0x9FFFFFFF  }
0xcc: {  	(tm) =	ssettm $0x7FFFFFFF  }
0xcd: {  	_ =	shalt  }
tec
execute0_lowered:
.L_overlay_start_1:
0x0: {  	(tag) =	ssettag $0x1  }
0x1: {  	s0 =	rddreg [dreg:$0x0]  }
0x2: {  	s1 =	rddreg [dreg:$0x1]  }
0x3: {  	s4 =	rddreg [dreg:$0x2]  }
0x4: {  	s2 =	rddreg [dreg:$0x4];
	s5 =	srdreg.scid;
	s3 =	simm.s32 $0x0  }
0x5: {  	s6 =	stileid.u32;
	s28 =	simm.s32 $0x3C00;
	s29 =	simm.s32 $0x7800  }
0x6: {  	s30 =	simm.s32 $0xF0F0;
	s31 =	simm.s32 $0xF168;
	s7 =	sand.u32 $0x1, s5  }
0x7: {  	[smem:$0x7FF] =	sst s3;
	s11 =	sshll.u32 s6, $0xA;
	s13 =	sshll.u32 s6, $0xD  }
0x8: {  	p0 =	sne.s32 s6, $0x0;
	s8 =	sshll.u32 s7, $0x4;
	_ =	strace $0x80000047  }
0x9: {  	s5 =	sadd.s32 s11, s4;
	s9 =	sshll.u32 s7, $0xE;
	s11 =	ssub.s32 $0x2, s7  }
0xa: {  	s7 =	smul.u32 $0x1D100, s7;
	s8 =	sor.u32 s6, s8;
	s9 =	sadd.s32 s9, s4  }
0xb: {  	s12 =	sshrl.u32 s11, $0x1;
	s5 =	sadd.s32 $0x1000, s5;
	s10 =	sshll.u32 s8, $0xB  }
0xc: {  	[dreg:$0x6] =	wrdreg s5;
	s19 =	sadd.s32 $0x15000, s9;
	s4 =	sadd.s32 s10, s4  }
0xd: {  	s10 =	ssub.s32 s11, s12;
	s12 =	smul.u32 $0x1D10, s8;
	s11 =	sadd.s32 s13, s2  }
0xe: {  	s13 =	sshll.u32 s6, $0x6;
	s8 =	smul.u32 $0x4E2, s8;
	[dreg:$0xc] =	wrdreg s19  }
0xf: {  	s5 =	sor.u32 $0x1C05, s13;
	s4 =	sadd.s32 $0x5000, s4;
	s20 =	smax.u32 s10, $0x1  }
0x10: {  	s19 =	sshrl.u32 s11, $0x3;
	s14 =	sadd.s32 $0x14000, s12;
	[dreg:$0xb] =	wrdreg s4  }
0x11: {  	s8 =	sadd.s32 s1, s8;
	s12 =	sadd.s32 $0x14078, s12;
	[dreg:$0xd] =	wrdreg s20  }
0x12: {  	s20 =	simm.s32 $0x5;
	[dreg:$0x7] =	wrdreg s8;
	s15 =	sshll.u32 s14, $0x4  }
0x13: {  	s13 =	sshrl.u32 s14, $0x3;
	s14 =	smul.u32 $0x1D10, s6;
	s8 =	sadd.s32 s0, s15  }
0x14: {  	s17 =	sshrl.u32 s12, $0x3;
	s16 =	sadd.s32 s1, s13;
	[dreg:$0x8] =	wrdreg s8  }
0x15: {  	[dreg:$0x9] =	wrdreg s16;
	s8 =	sadd.s32 s1, s17;
	s18 =	sadd.s32 s14, s7  }
0x16: {  	s6 =	simm.s32 $0x0;
	[dreg:$0xa] =	wrdreg s8;
	s21 =	sadd.s32 $0x141E0, s18  }
0x17: {  	s23 =	sadd.s32 $0x14258, s18;
	s25 =	sadd.s32 $0x140F0, s18;
	s4 =	sadd.s32 $0x14168, s18  }
0x18: {  	s22 =	sshrl.u32 s21, $0x3;
	s7 =	sshll.u32 s21, $0x4;
	s24 =	sshrl.u32 s23, $0x3  }
0x19: {  	s26 =	sshrl.u32 s25, $0x3;
	s4 =	sshrl.u32 s4, $0x3;
	s21 =	simm.s32 $0x118F0  }
0x1a: {  	s23 =	simm.s32 $0xF000;
	s13 =	sadd.s32 s22, s1;
	s8 =	sadd.s32 s7, s0  }
0x1b: {  	s15 =	sadd.s32 s24, s1;
	s7 =	sshll.u32 s25, $0x4;
	s16 =	sadd.s32 s26, s1  }
0x1c: {  	s18 =	sadd.s32 s4, s1;
	s24 =	simm.s32 $0xF078;
	s25 =	simm.s32 $0x1  }
0x1d: {  	v0 =	vlaneseq.u32;
	s26 =	simm.s32 $0x78;
	s1 =	simm.s32 $0xB400;
	s22 =	simm.s32 $0x3  }
0x1e: {  	v1 =	vimm.f32 $1.000000000e+00;
	v0 =	vmul.u32 $0x80, v0;
	s4 =	simm.s32 $0x4;
	s9 =	sadd.s32 s7, s0;
	s0 =	simm.s32 $0x2  }
.LBB2_1:
0x1f: {  	s7 =	rddreg [dreg:$0x6]  }
0x20: {  	[spmem:s19], [sflag:s5] =	dma.local [hbm:s7], $0x400  }
0x21: {  	_ =	swait.ge [sflag:s20], $0x400  }
0x22: {  	[sflag:s20] =	ssyncset.done $0x0  }
0x23: {  	[sflag:s20] =	ssyncadd.s32 $0xFFFFFC00  }
0x24: {  	s12 =	rddreg [dreg:$0x3]  }
0x25: {  	[tilespmem:s21], [sflag:$0x5] =	stream.linear.gather [hbm4b:s12+s3], $0x4000, $0x38;
	[tilespmem:$0x178F0] =	vst v63  }
0x26: {  	_ =	swait.ge [sflag:s20], $0x4000  }
0x27: {  	[sflag:s20] =	ssyncset.done $0x0  }
0x28: {  	s10 =	simm.s32 $0xF1E0;
	s14 =	rddreg [dreg:$0x7];
	[sflag:s20] =	ssyncadd.s32 $0xFFFFC000  }
0x29: {  	[tilespmem:s10], [sflag:$0x5] =	stream.linear.gather [hbm4b:s14+s3], $0x2710, $0x38;
	[tilespmem:$0x178F0] =	vst v63  }
0x2a: {  	_ =	swait.ge [sflag:s20], $0x2710  }
0x2b: {  	[sflag:s20] =	ssyncset.done $0x0  }
0x2c: {  	[sflag:s20] =	ssyncadd.s32 $0xFFFFD8F0  }
0x2d: {  	[bflag:$0x0] =	sbarrier.arrive $0xFFFF  }
0x2e: {  	s17 =	rddreg [dreg:$0x8]  }
0x2f: {  	[tilespmem:s3], [sflag:$0x1] =	stream.linear.gather [hbm4b:s17+s3], $0x7800, $0x38;
	[tilespmem:$0x178F0] =	vst v63  }
0x30: {  	s10 =	rddreg [dreg:$0x9]  }
0x31: {  	[tilespmem:s23], [sflag:$0x1] =	stream.linear.gather [hbm4b:s10+s3], $0x78, $0x38;
	[tilespmem:$0x178F0] =	vst v63  }
0x32: {  	s11 =	rddreg [dreg:$0xa]  }
0x33: {  	[tilespmem:s24], [sflag:$0x1] =	stream.linear.gather [hbm4b:s11+s3], $0x78, $0x38;
	[tilespmem:$0x178F0] =	vst v63  }
0x34: {  	_ =	swait.ge [sflag:s25], $0x7800  }
0x35: {  	[sflag:s25] =	ssyncset.done $0x0  }
0x36: {  	[sflag:s25] =	ssyncadd.s32 $0xFFFF8800  }
0x37: {  	_ =	swait.ge [sflag:s25], $0x78  }
0x38: {  	[sflag:s25] =	ssyncset.done $0x0  }
0x39: {  	[sflag:s25] =	ssyncadd.s32 $0xFFFFFF88  }
0x3a: {  	_ =	swait.ge [sflag:s25], $0x78  }
0x3b: {  	[sflag:s25] =	ssyncset.done $0x0  }
0x3c: {  	p1 =	por $0x1, $0x1;
	[sflag:s25] =	ssyncadd.s32 $0xFFFFFF88  }
0x3d: {  	[spmem:s2] =	stream.indirect.scatter.add.f32 [tilespmem:s3], [sflag:$0x3], $0x80, s23, s26, $0xb8;
	[tilespmem:$0x178F0] =	vst v63  }
0x3e: {  	s7 =	simm.s32 @!p1 $0x4  }
0x3f: {  	[spmem:s2] =	stream.indirect.scatter.add.f32 [tilespmem:s28], [sflag:$0x3], $0x80, s24, s26, $0xb8;
	[tilespmem:$0x178F0] =	vst v63  }
0x40: {  	_ =	swait.ge @!p1 [sflag:s7], $0x3C00  }
0x41: {  	[sflag:s7] =	ssyncset.done @!p1 $0x0  }
0x42: {  	[sflag:s7] =	ssyncadd.s32 @!p1 $0xFFFFC400  }
0x43: {  	_ =	swait.ge @!p1 [sflag:s7], $0x3C00  }
0x44: {  	[sflag:s7] =	ssyncset.done @!p1 $0x0  }
0x45: {  	[sflag:s7] =	ssyncadd.s32 @!p1 $0xFFFFC400  }
0x46: {  	[tilespmem:s29], [sflag:$0x2] =	stream.linear.gather [hbm4b:s9+s3], $0x7800, $0x38;
	[tilespmem:$0x178F0] =	vst v63  }
0x47: {  	s12 =	sadd.s32 $0x0, s16  }
0x48: {  	[tilespmem:s30], [sflag:$0x2] =	stream.linear.gather [hbm4b:s12+s3], $0x78, $0x38;
	[tilespmem:$0x178F0] =	vst v63  }
0x49: {  	s14 =	sadd.s32 $0x0, s18  }
0x4a: {  	[tilespmem:s31], [sflag:$0x2] =	stream.linear.gather [hbm4b:s14+s3], $0x78, $0x38;
	[tilespmem:$0x178F0] =	vst v63  }
0x4b: {  	_ =	swait.ge [sflag:s0], $0x7800  }
0x4c: {  	[sflag:s0] =	ssyncset.done $0x0  }
0x4d: {  	[sflag:s0] =	ssyncadd.s32 $0xFFFF8800  }
0x4e: {  	_ =	swait.ge [sflag:s0], $0x78  }
0x4f: {  	[sflag:s0] =	ssyncset.done $0x0  }
0x50: {  	[sflag:s0] =	ssyncadd.s32 $0xFFFFFF88  }
0x51: {  	_ =	swait.ge [sflag:s0], $0x78  }
0x52: {  	[sflag:s0] =	ssyncset.done $0x0  }
0x53: {  	[sflag:s0] =	ssyncadd.s32 $0xFFFFFF88  }
0x54: {  	[spmem:s2] =	stream.indirect.scatter.add.f32 [tilespmem:s29], [sflag:$0x4], $0x80, s30, s26, $0xb8;
	[tilespmem:$0x178F0] =	vst v63  }
0x55: {  	_ = 	snop  }
0x56: {  	[spmem:s2] =	stream.indirect.scatter.add.f32 [tilespmem:s1], [sflag:$0x4], $0x80, s31, s26, $0xb8;
	[tilespmem:$0x178F0] =	vst v63  }
0x57: {  	_ =	swait.ge [sflag:s22], $0x3C00  }
0x58: {  	[sflag:s22] =	ssyncset.done $0x0  }
0x59: {  	[sflag:s22] =	ssyncadd.s32 $0xFFFFC400  }
0x5a: {  	_ =	swait.ge [sflag:s22], $0x3C00  }
0x5b: {  	[sflag:s22] =	ssyncset.done $0x0  }
0x5c: {  	[sflag:s22] =	ssyncadd.s32 $0xFFFFC400  }
0x5d: {  	[tilespmem:s3], [sflag:$0x1] =	stream.linear.gather [hbm4b:s8+s3], $0x7800, $0x38;
	[tilespmem:$0x178F0] =	vst v63  }
0x5e: {  	s17 =	sadd.s32 $0x0, s13;
	s11 =	sadd.s32 $0x0, s15  }
0x5f: {  	[tilespmem:s23], [sflag:$0x1] =	stream.linear.gather [hbm4b:s17+s3], $0x78, $0x38;
	[tilespmem:$0x178F0] =	vst v63  }
0x60: {  	s7 =	simm.s32 $0x3C;
	s14 =	smov.u32 s8;
	s17 =	smov.u32 s9  }
.LBB2_2:
0x61: {  	s14 =	sadd.s32 $0x1E00, s14  }
0x62: {  	s17 =	sadd.s32 $0x1E00, s17;
	s10 =	smov.u32 s7;
	s7 =	sadd.s32 $0x3C, s7  }
0x63: {  	[tilespmem:s24], [sflag:$0x1] =	stream.linear.gather [hbm4b:s11+s3], $0x78, $0x38;
	[tilespmem:$0x178F0] =	vst v63  }
0x64: {  	p1 =	sne.s32 s7, $0x384;
	_ =	swait.ge [sflag:s25], $0x7800  }
0x65: {  	[sflag:s25] =	ssyncset.done $0x0  }
0x66: {  	[sflag:s25] =	ssyncadd.s32 $0xFFFF8800  }
0x67: {  	_ =	swait.ge [sflag:s25], $0x78  }
0x68: {  	[sflag:s25] =	ssyncset.done $0x0  }
0x69: {  	[sflag:s25] =	ssyncadd.s32 $0xFFFFFF88  }
0x6a: {  	_ =	swait.ge [sflag:s25], $0x78  }
0x6b: {  	[sflag:s25] =	ssyncset.done $0x0  }
0x6c: {  	[sflag:s25] =	ssyncadd.s32 $0xFFFFFF88  }
0x6d: {  	[spmem:s2] =	stream.indirect.scatter.add.f32 [tilespmem:s3], [sflag:$0x3], $0x80, s23, s26, $0xb8;
	[tilespmem:$0x178F0] =	vst v63  }
0x6e: {  	p2 =	seq.s32 s10, $0x0  }
0x6f: {  	[spmem:s2] =	stream.indirect.scatter.add.f32 [tilespmem:s28], [sflag:$0x3], $0x80, s24, s26, $0xb8;
	[tilespmem:$0x178F0] =	vst v63  }
0x70: {  	s11 =	simm.s32 @!p2 $0x4  }
0x71: {  	_ =	swait.ge @!p2 [sflag:s11], $0x3C00  }
0x72: {  	[sflag:s11] =	ssyncset.done @!p2 $0x0  }
0x73: {  	[sflag:s11] =	ssyncadd.s32 @!p2 $0xFFFFC400  }
0x74: {  	_ =	swait.ge @!p2 [sflag:s11], $0x3C00  }
0x75: {  	[sflag:s11] =	ssyncset.done @!p2 $0x0  }
0x76: {  	[sflag:s11] =	ssyncadd.s32 @!p2 $0xFFFFC400;
	s11 =	sadd.s32 s10, s16  }
0x77: {  	[tilespmem:s29], [sflag:$0x2] =	stream.linear.gather [hbm4b:s17+s3], $0x7800, $0x38;
	[tilespmem:$0x178F0] =	vst v63  }
0x78: {  	s12 =	sadd.s32 s10, s18  }
0x79: {  	[tilespmem:s30], [sflag:$0x2] =	stream.linear.gather [hbm4b:s11+s3], $0x78, $0x38;
	[tilespmem:$0x178F0] =	vst v63  }
0x7a: {  	_ = 	snop  }
0x7b: {  	[tilespmem:s31], [sflag:$0x2] =	stream.linear.gather [hbm4b:s12+s3], $0x78, $0x38;
	[tilespmem:$0x178F0] =	vst v63  }
0x7c: {  	_ =	swait.ge [sflag:s0], $0x7800  }
0x7d: {  	[sflag:s0] =	ssyncset.done $0x0  }
0x7e: {  	[sflag:s0] =	ssyncadd.s32 $0xFFFF8800  }
0x7f: {  	_ =	swait.ge [sflag:s0], $0x78  }
0x80: {  	[sflag:s0] =	ssyncset.done $0x0  }
0x81: {  	[sflag:s0] =	ssyncadd.s32 $0xFFFFFF88  }
0x82: {  	_ =	swait.ge [sflag:s0], $0x78  }
0x83: {  	[sflag:s0] =	ssyncset.done $0x0  }
0x84: {  	[sflag:s0] =	ssyncadd.s32 $0xFFFFFF88  }
0x85: {  	[spmem:s2] =	stream.indirect.scatter.add.f32 [tilespmem:s29], [sflag:$0x4], $0x80, s30, s26, $0xb8;
	[tilespmem:$0x178F0] =	vst v63  }
0x86: {  	_ = 	snop  }
0x87: {  	[spmem:s2] =	stream.indirect.scatter.add.f32 [tilespmem:s1], [sflag:$0x4], $0x80, s31, s26, $0xb8;
	[tilespmem:$0x178F0] =	vst v63  }
0x88: {  	_ =	swait.ge [sflag:s22], $0x3C00  }
0x89: {  	[sflag:s22] =	ssyncset.done $0x0  }
0x8a: {  	[sflag:s22] =	ssyncadd.s32 $0xFFFFC400  }
0x8b: {  	_ =	swait.ge [sflag:s22], $0x3C00  }
.Ltmp0:
0x8c: {  	[sflag:s22] =	ssyncset.done $0x0;
	(pc) =	sbr.rel @p1 .LBB2_2-.Ltmp0, $4  }
0x8d: {  	s12 =	sadd.s32 s10, s13;
	[sflag:s22] =	ssyncadd.s32 $0xFFFFC400  }
0x8e: {  	[tilespmem:s3], [sflag:$0x1] =	stream.linear.gather [hbm4b:s14+s3], $0x7800, $0x38;
	[tilespmem:$0x178F0] =	vst v63  }
0x8f: {  	s11 =	sadd.s32 s10, s15  }
0x90: {  	[tilespmem:s23], [sflag:$0x1] =	stream.linear.gather [hbm4b:s12+s3], $0x78, $0x38;
	[tilespmem:$0x178F0] =	vst v63  }
0x91: {  	[tilespmem:s24], [sflag:$0x1] =	stream.linear.gather [hbm4b:s11+s3], $0x78, $0x38;
	[tilespmem:$0x178F0] =	vst v63  }
0x92: {  	_ =	swait.ge [sflag:s25], $0x7800  }
0x93: {  	[sflag:s25] =	ssyncset.done $0x0  }
0x94: {  	[sflag:s25] =	ssyncadd.s32 $0xFFFF8800  }
0x95: {  	_ =	swait.ge [sflag:s25], $0x78  }
0x96: {  	[sflag:s25] =	ssyncset.done $0x0  }
0x97: {  	[sflag:s25] =	ssyncadd.s32 $0xFFFFFF88  }
0x98: {  	_ =	swait.ge [sflag:s25], $0x78  }
0x99: {  	[sflag:s25] =	ssyncset.done $0x0  }
0x9a: {  	s7 =	simm.s32 $0x0;
	[sflag:s25] =	ssyncadd.s32 $0xFFFFFF88  }
0x9b: {  	[spmem:s2] =	stream.indirect.scatter.add.f32 [tilespmem:s7], [sflag:$0x3], $0x80, s23, s26, $0xb8;
	[tilespmem:$0x178F0] =	vst v63  }
0x9c: {  	s10 =	simm.s32 $0x0;
	s7 =	simm.s32 $0x40  }
0x9d: {  	[spmem:s2] =	stream.indirect.scatter.add.f32 [tilespmem:s28], [sflag:$0x3], $0x80, s24, s26, $0xb8;
	[tilespmem:$0x178F0] =	vst v63  }
.LBB2_4:
0x9e: {  	p1 =	sne.s32 s7, $0x9C00;
	v2 =	vld [tilespmem:s10+$0xF1E0];
	_ =	sdelay $0x4  }
0x9f: {  	v3 =	vshll.u32 v2, $0x4  }
0xa0: {  	v2 =	vand.u32 $0x7F, v2;
	v3 =	vand.u32 $0xFFFFF800, v3  }
0xa1: {  	v2 =	vor.u32 v3, v2  }
0xa2: {  	v2 =	vor.u32 v0, v2  }
.Ltmp1:
0xa3: {  	(pc) =	sbr.rel @p1 .LBB2_4-.Ltmp1, $2  }
0xa4: {  	_ =	sdelay $0x2  }
0xa5: {  	s10 =	sshra.s32 s7, $0x2;
	s7 =	sadd.s32 $0x40, s7;
	[tilespmem:v2+s21+$0x0] =	vst.idx.add.f32.msk $0xffff, v1  }
0xa6: {  	v2 =	vld [tilespmem:s10+$0xF1E0];
	_ =	sdelay $0x4  }
0xa7: {  	v3 =	vshll.u32 v2, $0x4  }
0xa8: {  	v2 =	vand.u32 $0x7F, v2;
	v3 =	vand.u32 $0xFFFFF800, v3  }
0xa9: {  	v2 =	vor.u32 v3, v2  }
0xaa: {  	v2 =	vor.u32 v0, v2;
	_ =	sdelay $0x4  }
0xab: {  	s7 =	rddreg [dreg:$0xb];
	[tilespmem:v2+s21+$0x0] =	vst.idx.add.f32.msk $0xffff, v1  }
0xac: {  	[hbm4b:s7+s3] =	stream.linear.scatter [tilespmem:s21], [sflag:$0x5], $0x4000, $0x38;
	[tilespmem:$0x178F0] =	vst v63  }
0xad: {  	_ =	swait.ge [sflag:s20], $0x4000  }
0xae: {  	[sflag:s20] =	ssyncset.done $0x0  }
0xaf: {  	[sflag:s20] =	ssyncadd.s32 $0xFFFFC000  }
0xb0: {  	_ =	swait.ge [sflag:s22], $0x3C00  }
0xb1: {  	[sflag:s22] =	ssyncset.done $0x0  }
0xb2: {  	[sflag:s22] =	ssyncadd.s32 $0xFFFFC400  }
0xb3: {  	_ =	swait.ge [sflag:s22], $0x3C00  }
0xb4: {  	[sflag:s22] =	ssyncset.done $0x0  }
0xb5: {  	[sflag:s22] =	ssyncadd.s32 $0xFFFFC400  }
0xb6: {  	_ =	swait.ge [sflag:s4], $0x3C00  }
0xb7: {  	[sflag:s4] =	ssyncset.done $0x0  }
0xb8: {  	[sflag:s4] =	ssyncadd.s32 $0xFFFFC400  }
0xb9: {  	_ =	swait.ge [sflag:s4], $0x3C00  }
0xba: {  	[sflag:s4] =	ssyncset.done $0x0  }
0xbb: {  	[sflag:s4] =	ssyncadd.s32 $0xFFFFC400  }
0xbc: {  	[bflag:$0x0] =	sbarrier.arrive $0xFFFF  }
0xbd: {  	s7 =	sshrl.u32 @!p0 s2, $0x3;
	s10 =	rddreg [dreg:$0xc]  }
0xbe: {  	[hbm:s10], [sflag:s5] =	dma.local @!p0 [spmem:s7], $0x4000  }
0xbf: {  	s7 =	simm.s32 @!p0 $0x5  }
0xc0: {  	_ =	swait.ge @!p0 [sflag:s7], $0x4000  }
0xc1: {  	s6 =	sadd.s32 $0x1, s6;
	s17 =	rddreg [dreg:$0xd]  }
0xc2: {  	p1 =	sne.s32 s6, s17  }
.Ltmp2:
0xc3: {  	_ = 	snop;
	(pc) =	sbr.rel @p1 .LBB2_1-.Ltmp2, $3  }
0xc4: {  	_ =	sdelay $0x1  }
0xc5: {  	[sflag:s7] =	ssyncset.done @!p0 $0x0  }
0xc6: {  	[sflag:s7] =	ssyncadd.s32 @!p0 $0xFFFFC000  }
0xc7: {  	_ =	sfence.sel $0x180000  }
0xc8: {  	[bflag:$0x0] =	sbarrier.arrive $0xFFFF  }
0xc9: {  	_ =	strace $0x90000047  }
0xca: {  	[bflag:$0x2] =	sbarrier.arrive $0xFFFF  }
0xcb: {  	s0 =	rddreg [dreg:$0x5]  }
0xcc: {  	s0 =	sadd.s32 @!p0 $0x100000, s0  }
0xcd: {  	[sflag:s0] =	ssyncadd.tile.s32 @!p0 $0x1;
	_ =	shalt  }
.Lfunc_end2:
_tile_overlayer_lowered:
.L_overlay_start_2:
0xce: {  	(tag) =	ssettag $0x2  }
0xcf: {  	s0 =	rddreg [dreg:$0x0];
	s2 =	stileid.u32  }
0xd0: {  	s1 =	rddreg [dreg:$0x1];
	p0 =	sne.s32 s2, $0x0  }
0xd1: {  	s3 =	rddreg [dreg:$0x2];
	[bflag:$0x3] =	sbarrier.arrive $0xFFFF;
	s2 =	simm.s32 @!p0 $0x1C05  }
0xd2: {  	[timem:s3], [sflag:s2] =	dma.local @!p0 [hbm:s0], s1  }
0xd3: {  	s0 =	simm.s32 @!p0 $0x5  }
0xd4: {  	_ =	swait.ge @!p0 [sflag:s0], s1  }
0xd5: {  	s1 =	ssub.s32 @!p0 $0x0, s1;
	[sflag:s0] =	ssyncset.done @!p0 $0x0  }
0xd6: {  	[sflag:s0] =	ssyncadd.s32 @!p0 s1  }
0xd7: {  	[bflag:$0x3] =	sbarrier.arrive $0xFFFF  }
0xd8: {  	_ =	shalt  }

</sc_bundles>
